<compile_context>
chip_gen: v7x
topology: tpu7x:2x2x1
jax: 0.10.2.dev20260603
libtpu: 0.0.44.dev20260713+nightly
codegen_flags: <defaults>
</compile_context>

<pallas_src>
import functools

import jax
import jax.numpy as jnp
from jax import lax
from jax.experimental import pallas as pl
from jax.experimental.pallas import tpu as pltpu
from jax.experimental.pallas import tpu_sc as plsc

N = 10000
E = 320000
DIN = 128
HID = 256
DOUT = 64

EPAD = 327680
CH = 128
NROW = EPAD // CH

KW = EPAD // (32 * CH)
SBW = 40

K2 = EPAD // (16 * CH)
SB2 = 32

ACC = 10112
RPS = ACC // 16

_f32 = jnp.float32
_mesh = plsc.VectorSubcoreMesh(core_axis_name="c", subcore_axis_name="s")


def _zero_stripe(zbuf, acc, s):
    @pl.loop(0, RPS // 16)
    def _(k):
        pltpu.sync_copy(zbuf, acc.at[pl.ds(s * RPS + k * 16, 16)])

    pltpu.sync_copy(zbuf.at[pl.ds(0, RPS % 16)],
                    acc.at[pl.ds(s * RPS + (RPS // 16) * 16, RPS % 16)])


def _fill(buf, nrows, val):
    @pl.loop(0, nrows)
    def _(r):
        @pl.loop(0, DIN // 16)
        def _(q):
            buf[r, pl.ds(q * 16, 16)] = val


@functools.partial(
    pl.kernel,
    out_type=jax.ShapeDtypeStruct((2, ACC, DIN), _f32),
    mesh=_mesh,
    scratch_types=[
        pltpu.VMEM((SBW, CH), jnp.int32),
        pltpu.VMEM((CH, DIN), _f32),
        pltpu.VMEM((16, DIN), _f32),
        pltpu.VMEM_SHARED((ACC, DIN), _f32),
        pltpu.SemaphoreType.DMA,
    ],
)
def _sc_pass0(dst_hbm, deg_hbm, didx, ones, zbuf, dega, sem0):
    c = lax.axis_index("c")
    s = lax.axis_index("s")
    w = c * 16 + s

    _fill(zbuf, 16, jnp.zeros((16,), _f32))
    _fill(ones, CH, jnp.ones((16,), _f32))
    _zero_stripe(zbuf, dega, s)
    plsc.subcore_barrier()

    @pl.loop(0, KW // SBW)
    def _(g):
        pltpu.sync_copy(dst_hbm.at[pl.ds(w * KW + g * SBW, SBW)], didx)

        @pl.loop(0, SBW)
        def _(j):
            pltpu.sync_copy(ones, dega.at[didx.at[j]], add=True)

    plsc.subcore_barrier()
    r0 = s * RPS
    pltpu.sync_copy(dega.at[pl.ds(r0, RPS)], deg_hbm.at[c, pl.ds(r0, RPS)])


@functools.partial(
    pl.kernel,
    out_type=jax.ShapeDtypeStruct((2, ACC, DIN), _f32),
    mesh=_mesh,
    scratch_types=[
        pltpu.VMEM((SBW, CH), jnp.int32),
        pltpu.VMEM((SBW, CH), jnp.int32),
        pltpu.VMEM((CH, DIN), _f32),
        pltpu.VMEM((CH, DIN), _f32),
        pltpu.VMEM((16, DIN), _f32),
        pltpu.VMEM_SHARED((ACC, DIN), _f32),
        pltpu.SemaphoreType.DMA,
        pltpu.SemaphoreType.DMA,
        pltpu.SemaphoreType.DMA,
        pltpu.SemaphoreType.DMA,
    ],
)
def _sc_pass1(x_hbm, src_hbm, dst_hbm, agg_hbm,
              sidx, didx, rows0, rows1, zbuf, acc, sem0, sem1, sst0, sst1):
    c = lax.axis_index("c")
    s = lax.axis_index("s")
    w = c * 16 + s

    _fill(zbuf, 16, jnp.zeros((16,), _f32))
    _zero_stripe(zbuf, acc, s)
    plsc.subcore_barrier()

    @pl.loop(0, KW // SBW)
    def _(g):
        b0 = w * KW + g * SBW
        pltpu.sync_copy(src_hbm.at[pl.ds(b0, SBW)], sidx)
        pltpu.sync_copy(dst_hbm.at[pl.ds(b0, SBW)], didx)

        pltpu.async_copy(x_hbm.at[sidx.at[0]], rows0, sem0)

        @pl.loop(0, SBW, step=2)
        def _(j):
            pltpu.make_async_copy(x_hbm.at[sidx.at[j]], rows0, sem0).wait()
            pltpu.async_copy(x_hbm.at[sidx.at[j + 1]], rows1, sem1)
            pltpu.sync_copy(rows0, acc.at[didx.at[j]], add=True)
            pltpu.make_async_copy(x_hbm.at[sidx.at[j + 1]],
                                  rows1, sem1).wait()

            @pl.when(j + 2 < SBW)
            def _():
                pltpu.async_copy(x_hbm.at[sidx.at[j + 2]], rows0, sem0)

            pltpu.sync_copy(rows1, acc.at[didx.at[j + 1]], add=True)

    plsc.subcore_barrier()
    r0 = s * RPS
    pltpu.sync_copy(acc.at[pl.ds(r0, RPS)], agg_hbm.at[c, pl.ds(r0, RPS)])


@functools.partial(
    pl.kernel,
    out_type=jax.ShapeDtypeStruct((2, ACC, DIN), _f32),
    mesh=_mesh,
    scratch_types=[
        pltpu.VMEM((SB2, CH), jnp.int32),
        pltpu.VMEM((SB2, CH), jnp.int32),
        pltpu.VMEM((CH, DIN), _f32),
        pltpu.VMEM((CH, DIN), _f32),
        pltpu.VMEM((16, DIN), _f32),
        pltpu.VMEM_SHARED((ACC, DIN), _f32),
        pltpu.SemaphoreType.DMA,
        pltpu.SemaphoreType.DMA,
        pltpu.SemaphoreType.DMA,
        pltpu.SemaphoreType.DMA,
    ],
)
def _sc_pass2(p_hbm, src_hbm, dst_hbm, out_hbm,
              sidx, didx, rows0, rows1, zbuf, acc, sem0, sem1, sst0, sst1):
    c = lax.axis_index("c")
    s = lax.axis_index("s")

    _fill(zbuf, 16, jnp.zeros((16,), _f32))
    _zero_stripe(zbuf, acc, s)
    plsc.subcore_barrier()

    @pl.loop(0, K2 // SB2)
    def _(g):
        b0 = s * K2 + g * SB2
        pltpu.sync_copy(src_hbm.at[c, pl.ds(b0, SB2)], sidx)
        pltpu.sync_copy(dst_hbm.at[pl.ds(b0, SB2)], didx)

        pltpu.async_copy(p_hbm.at[sidx.at[0]], rows0, sem0)

        @pl.loop(0, SB2, step=2)
        def _(j):
            pltpu.make_async_copy(p_hbm.at[sidx.at[j]], rows0, sem0).wait()
            pltpu.async_copy(p_hbm.at[sidx.at[j + 1]], rows1, sem1)
            pltpu.sync_copy(rows0, acc.at[didx.at[j]], add=True)
            pltpu.make_async_copy(p_hbm.at[sidx.at[j + 1]],
                                  rows1, sem1).wait()

            @pl.when(j + 2 < SB2)
            def _():
                pltpu.async_copy(p_hbm.at[sidx.at[j + 2]], rows0, sem0)

            pltpu.sync_copy(rows1, acc.at[didx.at[j + 1]], add=True)

    plsc.subcore_barrier()
    r0 = s * RPS
    pltpu.sync_copy(acc.at[pl.ds(r0, RPS)], out_hbm.at[c, pl.ds(r0, RPS)])


BM = 1000


def _tc_phase_b(x, aggp, degp, W1s, b1s, W1n, b1n, W2s, W2n):
    def body(x_ref, aggp_ref, degp_ref, w1s_ref, b1s_ref, w1n_ref, b1n_ref,
             w2s_ref, w2n_ref, q_ref, pcat_ref):
        deg = degp_ref[0, :, 0:1] + degp_ref[1, :, 0:1]
        inv = 1.0 / jnp.maximum(deg, 1.0)
        agg = (aggp_ref[0] + aggp_ref[1]) * inv
        hs = jnp.dot(x_ref[...], w1s_ref[...],
                     preferred_element_type=_f32) + b1s_ref[...]
        hn = jnp.dot(agg, w1n_ref[...],
                     preferred_element_type=_f32) + b1n_ref[...]
        h = jnp.maximum(jnp.concatenate([hs, hn], axis=1), 0.0)
        q_ref[...] = jnp.dot(h, w2s_ref[...], preferred_element_type=_f32)
        p = jnp.dot(h, w2n_ref[...], preferred_element_type=_f32)
        pcat_ref[0, :, :] = p[:, :DIN]
        pcat_ref[1, :, :] = p[:, DIN:]

    return pl.pallas_call(
        body,
        grid=(N // BM,),
        in_specs=[
            pl.BlockSpec((BM, DIN), lambda i: (i, 0)),
            pl.BlockSpec((2, BM, DIN), lambda i: (0, i, 0)),
            pl.BlockSpec((2, BM, DIN), lambda i: (0, i, 0)),
            pl.BlockSpec((DIN, HID), lambda i: (0, 0)),
            pl.BlockSpec((HID,), lambda i: (0,)),
            pl.BlockSpec((DIN, HID), lambda i: (0, 0)),
            pl.BlockSpec((HID,), lambda i: (0,)),
            pl.BlockSpec((2 * HID, HID), lambda i: (0, 0)),
            pl.BlockSpec((2 * HID, HID), lambda i: (0, 0)),
        ],
        out_specs=[
            pl.BlockSpec((BM, HID), lambda i: (i, 0)),
            pl.BlockSpec((2, BM, DIN), lambda i: (0, i, 0)),
        ],
        out_shape=[jax.ShapeDtypeStruct((N, HID), _f32),
                   jax.ShapeDtypeStruct((2, N, DIN), _f32)],
    )(x, aggp, degp, W1s, b1s, W1n, b1n, W2s, W2n)


def _tc_phase_d(q, agg2, degp, b2s, b2n, Wc, bc):
    def body(q_ref, a2_ref, degp_ref, b2s_ref, b2n_ref, wc_ref, bc_ref,
             o_ref):
        deg = degp_ref[0, :, 0:1] + degp_ref[1, :, 0:1]
        inv = 1.0 / jnp.maximum(deg, 1.0)
        hs = q_ref[...] + b2s_ref[...]
        a2 = jnp.concatenate([a2_ref[0], a2_ref[1]], axis=1) * inv
        h = jnp.maximum(jnp.concatenate([hs, a2 + b2n_ref[...]], axis=1), 0.0)
        nrm = jnp.maximum(jnp.sqrt(jnp.sum(h * h, axis=1, keepdims=True)),
                          1e-12)
        o_ref[...] = jnp.dot(h / nrm, wc_ref[...],
                             preferred_element_type=_f32) + bc_ref[...]

    return pl.pallas_call(
        body,
        grid=(N // BM,),
        in_specs=[
            pl.BlockSpec((BM, HID), lambda i: (i, 0)),
            pl.BlockSpec((2, BM, DIN), lambda i: (0, i, 0)),
            pl.BlockSpec((2, BM, DIN), lambda i: (0, i, 0)),
            pl.BlockSpec((HID,), lambda i: (0,)),
            pl.BlockSpec((HID,), lambda i: (0,)),
            pl.BlockSpec((2 * HID, DOUT), lambda i: (0, 0)),
            pl.BlockSpec((DOUT,), lambda i: (0,)),
        ],
        out_specs=pl.BlockSpec((BM, DOUT), lambda i: (i, 0)),
        out_shape=jax.ShapeDtypeStruct((N, DOUT), _f32),
    )(q, agg2, degp, b2s, b2n, Wc, bc)


def kernel(x, edge_index, W1_self, b1_self, W1_neigh, b1_neigh,
           W2_self, b2_self, W2_neigh, b2_neigh, Wc, bc):
    src = edge_index[0].astype(jnp.int32)
    dst = edge_index[1].astype(jnp.int32)
    pad = EPAD - E
    srcf = jnp.concatenate([src, jnp.arange(pad, dtype=jnp.int32)])
    dstf = jnp.concatenate([dst, N + jnp.arange(pad, dtype=jnp.int32)
                            % (ACC - N)])
    srcp = srcf.reshape(NROW, CH)
    dstp = dstf.reshape(NROW, CH)
    src2 = jnp.stack([srcp, srcp + N])

    deg_parts = _sc_pass0(dstp)
    agg_parts = _sc_pass1(x, srcp, dstp)
    q, pcat = _tc_phase_b(x, agg_parts, deg_parts,
                          W1_self, b1_self, W1_neigh, b1_neigh,
                          W2_self, W2_neigh)
    agg2 = _sc_pass2(pcat.reshape(2 * N, DIN), src2, dstp)
    return _tc_phase_d(q, agg2, deg_parts, b2_self, b2_neigh, Wc, bc)

# --- scband reference (transcript-rebuilt; emitter-appended) ---
"""Pipeline reference for scband-net-63771674411670 (READ-ONLY COPY).

The authoritative reference and input builder live on the scoring server;
editing this copy changes nothing except your own understanding.
"""

import jax, jax.numpy as jnp
import numpy as np

N_NODES = 10000
N_EDGES = 320000
DIM_IN = 128
HIDDEN = 256
DIM_OUT = 64


def glorot(key, shape):
    fan_in, fan_out = shape[0], shape[1]
    limit = jnp.sqrt(6.0 / (fan_in + fan_out))
    return jax.random.uniform(key, shape, jnp.float32, -limit, limit)


def setup_inputs(seed: int = 0) -> dict:
    key = jax.random.key(seed)
    ks = jax.random.split(key, 12)
    x = jax.random.normal(ks[0], (N_NODES, DIM_IN), jnp.float32)
    edge_index = jax.random.randint(ks[1], (2, N_EDGES), 0, N_NODES, jnp.int64)
    return {
        'x': x,
        'edge_index': edge_index,
        'W1_self': glorot(ks[2], (DIM_IN, HIDDEN)),
        'b1_self': jnp.zeros((HIDDEN,), jnp.float32),
        'W1_neigh': glorot(ks[3], (DIM_IN, HIDDEN)),
        'b1_neigh': jnp.zeros((HIDDEN,), jnp.float32),
        'W2_self': glorot(ks[4], (2 * HIDDEN, HIDDEN)),
        'b2_self': jnp.zeros((HIDDEN,), jnp.float32),
        'W2_neigh': glorot(ks[5], (2 * HIDDEN, HIDDEN)),
        'b2_neigh': jnp.zeros((HIDDEN,), jnp.float32),
        'Wc': glorot(ks[6], (2 * HIDDEN, DIM_OUT)),
        'bc': jnp.zeros((DIM_OUT,), jnp.float32),
    }


def _sage_conv(x, src, dst, inv_deg, W_self, b_self, W_neigh, b_neigh):
    # mean aggregation over incoming edges (mp_matrix = degree-normalized adjacency)
    agg = jax.ops.segment_sum(x[src], dst, num_segments=N_NODES) * inv_deg[:, None]
    h_self = x @ W_self + b_self
    h_neigh = agg @ W_neigh + b_neigh
    h = jnp.concatenate([h_self, h_neigh], axis=1)
    return jax.nn.relu(h)  # dropout inactive in eval mode


def reference(x, edge_index, W1_self, b1_self, W1_neigh, b1_neigh,
              W2_self, b2_self, W2_neigh, b2_neigh, Wc, bc):
    src = edge_index[0]
    dst = edge_index[1]
    deg = jax.ops.segment_sum(jnp.ones((N_EDGES,), jnp.float32), dst, num_segments=N_NODES)
    inv_deg = 1.0 / jnp.maximum(deg, 1.0)
    h = _sage_conv(x, src, dst, inv_deg, W1_self, b1_self, W1_neigh, b1_neigh)
    h = _sage_conv(h, src, dst, inv_deg, W2_self, b2_self, W2_neigh, b2_neigh)
    # F.normalize(p=2, dim=1)
    nrm = jnp.maximum(jnp.linalg.norm(h, axis=1, keepdims=True), 1e-12)
    h = h / nrm
    return h @ Wc + bc

if __name__ == "__main__":
    import jax
    _d = setup_inputs()
    print(jax.jit(kernel)(*tuple(_d.values())))

</pallas_src>

<mosaic_0001>
#map = affine_map<(d0, d1) -> (0, 0)>
#map1 = affine_map<(d0, d1) -> (0, 0, 0)>
module attributes {stable_mosaic.version = 14 : i64} {
  func.func @_sc_pass0(%arg0: i32, %arg1: i32, %arg2: memref<2560x128xi32, #tpu.memory_space<hbm>>, %arg3: memref<2x10112x128xf32, #tpu.memory_space<hbm>>, %arg4: memref<40x128xi32, #tpu.memory_space<vmem>>, %arg5: memref<128x128xf32, #tpu.memory_space<vmem>>, %arg6: memref<16x128xf32, #tpu.memory_space<vmem>>, %arg7: memref<10112x128xf32, #tpu.memory_space<vmem_shared>>, %arg8: memref<!tpu.dma_semaphore, #tpu.memory_space<semaphore_mem>>) attributes {dimension_semantics = [#tpu.dimension_semantics<core_parallel>, #tpu.dimension_semantics<subcore_parallel>], iteration_bounds = array<i64: 2, 16>, scalar_prefetch = 0 : i64, scratch_operands = 5 : i64, tpu.core_type = #tpu.core_type<sc_vector_subcore>, window_params = [{transform_indices = #map}, {transform_indices = #map1}]} {
    %mul3A = arith.constant 16 : i32
    %mul3A_0 = arith.muli %arg0, %mul3A : i32
    %add3A = arith.addi %mul3A_0, %arg1 : i32
    %broadcast_in_dim3A = arith.constant 0.000000e+00 : f32
    %broadcast_in_dim3A_1 = vector.broadcast %broadcast_in_dim3A : f32 to vector<16xf32>
    %scan3A = arith.constant 0 : i32
    %scan3A_2 = arith.constant 16 : i32
    %scan3A_3 = arith.addi %scan3A, %scan3A_2 : i32
    %scan3A_4 = arith.constant 1 : i32
    scf.for %scan3A_30 = %scan3A to %scan3A_3 step %scan3A_4  : i32 {
      %mul3A_31 = arith.constant 1 : i32
      %mul3A_32 = arith.muli %scan3A_30, %mul3A_31 : i32
      %add3A_33 = arith.constant 0 : i32
      %add3A_34 = arith.addi %add3A_33, %mul3A_32 : i32
      %scan3A_35 = arith.constant 0 : i32
      %scan3A_36 = arith.constant 8 : i32
      %scan3A_37 = arith.addi %scan3A_35, %scan3A_36 : i32
      %scan3A_38 = arith.constant 1 : i32
      scf.for %scan3A_40 = %scan3A_35 to %scan3A_37 step %scan3A_38  : i32 {
        %mul3A_41 = arith.constant 1 : i32
        %mul3A_42 = arith.muli %scan3A_40, %mul3A_41 : i32
        %add3A_43 = arith.constant 0 : i32
        %add3A_44 = arith.addi %add3A_43, %mul3A_42 : i32
        %mul3A_45 = arith.constant 16 : i32
        %mul3A_46 = arith.muli %add3A_44, %mul3A_45 : i32
        %swap3A = arith.index_cast %add3A_34 : i32 to index
        %swap3A_47 = arith.index_cast %mul3A_46 : i32 to index
        %swap3A_48 = tpu.vector_load %arg6[%swap3A, %swap3A_47] {strides = array<i32>} : memref<16x128xf32, #tpu.memory_space<vmem>>, vector<1x16xf32>,
        %swap3A_49 = vector.shape_cast %swap3A_48 : vector<1x16xf32> to vector<16xf32>
        %swap3A_50 = vector.shape_cast %broadcast_in_dim3A_1 : vector<16xf32> to vector<1x16xf32>
        tpu.vector_store %arg6[%swap3A, %swap3A_47], %swap3A_50 {strides = array<i32>} : memref<16x128xf32, #tpu.memory_space<vmem>>, vector<1x16xf32>,
      }
      %scan3A_39 = arith.constant 8 : i32
    }
    %scan3A_5 = arith.constant 16 : i32
    %broadcast_in_dim3A_6 = arith.constant 1.000000e+00 : f32
    %broadcast_in_dim3A_7 = vector.broadcast %broadcast_in_dim3A_6 : f32 to vector<16xf32>
    %scan3A_8 = arith.constant 0 : i32
    %scan3A_9 = arith.constant 128 : i32
    %scan3A_10 = arith.addi %scan3A_8, %scan3A_9 : i32
    %scan3A_11 = arith.constant 1 : i32
    scf.for %scan3A_30 = %scan3A_8 to %scan3A_10 step %scan3A_11  : i32 {
      %mul3A_31 = arith.constant 1 : i32
      %mul3A_32 = arith.muli %scan3A_30, %mul3A_31 : i32
      %add3A_33 = arith.constant 0 : i32
      %add3A_34 = arith.addi %add3A_33, %mul3A_32 : i32
      %scan3A_35 = arith.constant 0 : i32
      %scan3A_36 = arith.constant 8 : i32
      %scan3A_37 = arith.addi %scan3A_35, %scan3A_36 : i32
      %scan3A_38 = arith.constant 1 : i32
      scf.for %scan3A_40 = %scan3A_35 to %scan3A_37 step %scan3A_38  : i32 {
        %mul3A_41 = arith.constant 1 : i32
        %mul3A_42 = arith.muli %scan3A_40, %mul3A_41 : i32
        %add3A_43 = arith.constant 0 : i32
        %add3A_44 = arith.addi %add3A_43, %mul3A_42 : i32
        %mul3A_45 = arith.constant 16 : i32
        %mul3A_46 = arith.muli %add3A_44, %mul3A_45 : i32
        %swap3A = arith.index_cast %add3A_34 : i32 to index
        %swap3A_47 = arith.index_cast %mul3A_46 : i32 to index
        %swap3A_48 = tpu.vector_load %arg5[%swap3A, %swap3A_47] {strides = array<i32>} : memref<128x128xf32, #tpu.memory_space<vmem>>, vector<1x16xf32>,
        %swap3A_49 = vector.shape_cast %swap3A_48 : vector<1x16xf32> to vector<16xf32>
        %swap3A_50 = vector.shape_cast %broadcast_in_dim3A_7 : vector<16xf32> to vector<1x16xf32>
        tpu.vector_store %arg5[%swap3A, %swap3A_47], %swap3A_50 {strides = array<i32>} : memref<128x128xf32, #tpu.memory_space<vmem>>, vector<1x16xf32>,
      }
      %scan3A_39 = arith.constant 8 : i32
    }
    %scan3A_12 = arith.constant 128 : i32
    %scan3A_13 = arith.constant 0 : i32
    %scan3A_14 = arith.constant 39 : i32
    %scan3A_15 = arith.addi %scan3A_13, %scan3A_14 : i32
    %scan3A_16 = arith.constant 1 : i32
    scf.for %scan3A_30 = %scan3A_13 to %scan3A_15 step %scan3A_16  : i32 {
      %mul3A_31 = arith.constant 1 : i32
      %mul3A_32 = arith.muli %scan3A_30, %mul3A_31 : i32
      %add3A_33 = arith.constant 0 : i32
      %add3A_34 = arith.addi %add3A_33, %mul3A_32 : i32
      %mul3A_35 = arith.constant 632 : i32
      %mul3A_36 = arith.muli %arg1, %mul3A_35 : i32
      %mul3A_37 = arith.constant 16 : i32
      %mul3A_38 = arith.muli %add3A_34, %mul3A_37 : i32
      %add3A_39 = arith.addi %mul3A_36, %mul3A_38 : i32
      "tpu.region"() ({
        %run_scoped3A = tpu.sem_alloc : memref<!tpu.dma_semaphore, #tpu.memory_space<semaphore_mem>>
        %dma_start3A = arith.constant 0 : i32
        %dma_start3A_40 = tpu.memref_slice %arg7[%add3A_39, %dma_start3A] : memref<10112x128xf32, #tpu.memory_space<vmem_shared>> -> memref<16x128xf32, #tpu.memory_space<vmem_shared>>
        %dma_start3A_41 = arith.constant 0 : i32
        %dma_start3A_42 = tpu.memref_slice %arg7[%add3A_39, %dma_start3A_41] : memref<10112x128xf32, #tpu.memory_space<vmem_shared>> -> memref<16x128xf32, #tpu.memory_space<vmem_shared>>
        tpu.enqueue_dma source(%arg6 : memref<16x128xf32, #tpu.memory_space<vmem>>) target(%dma_start3A_42 : memref<16x128xf32, #tpu.memory_space<vmem_shared>>) target_semaphore(%run_scoped3A : memref<!tpu.dma_semaphore, #tpu.memory_space<semaphore_mem>>)
        %dma_wait3A = arith.constant 0 : i32
        %dma_wait3A_43 = tpu.memref_slice %arg7[%add3A_39, %dma_wait3A] : memref<10112x128xf32, #tpu.memory_space<vmem_shared>> -> memref<16x128xf32, #tpu.memory_space<vmem_shared>>
        %dma_wait3A_44 = arith.constant 0 : i32
        %dma_wait3A_45 = tpu.memref_slice %arg7[%add3A_39, %dma_wait3A_44] : memref<10112x128xf32, #tpu.memory_space<vmem_shared>> -> memref<16x128xf32, #tpu.memory_space<vmem_shared>>
        tpu.wait_dma2 semaphore(%run_scoped3A : memref<!tpu.dma_semaphore, #tpu.memory_space<semaphore_mem>>) src(%arg6 : memref<16x128xf32, #tpu.memory_space<vmem>>) dst(%dma_wait3A_45 : memref<16x128xf32, #tpu.memory_space<vmem_shared>>)
        tpu.yield
      }) : () -> ()
    }
    %scan3A_17 = arith.constant 39 : i32
    %mul3A_18 = arith.constant 632 : i32
    %mul3A_19 = arith.muli %arg1, %mul3A_18 : i32
    %add3A_20 = arith.constant 624 : i32
    %add3A_21 = arith.addi %mul3A_19, %add3A_20 : i32
    "tpu.region"() ({
      %run_scoped3A = tpu.sem_alloc : memref<!tpu.dma_semaphore, #tpu.memory_space<semaphore_mem>>
      %dma_start3A = arith.constant 0 : i32
      %dma_start3A_30 = arith.constant 0 : i32
      %dma_start3A_31 = tpu.memref_slice %arg6[%dma_start3A, %dma_start3A_30] : memref<16x128xf32, #tpu.memory_space<vmem>> -> memref<8x128xf32, #tpu.memory_space<vmem>>
      %dma_start3A_32 = arith.constant 0 : i32
      %dma_start3A_33 = tpu.memref_slice %arg7[%add3A_21, %dma_start3A_32] : memref<10112x128xf32, #tpu.memory_space<vmem_shared>> -> memref<8x128xf32, #tpu.memory_space<vmem_shared>>
      %dma_start3A_34 = arith.constant 0 : i32
      %dma_start3A_35 = tpu.memref_slice %arg7[%add3A_21, %dma_start3A_34] : memref<10112x128xf32, #tpu.memory_space<vmem_shared>> -> memref<8x128xf32, #tpu.memory_space<vmem_shared>>
      %dma_start3A_36 = arith.constant 0 : i32
      %dma_start3A_37 = arith.constant 0 : i32
      %dma_start3A_38 = tpu.memref_slice %arg6[%dma_start3A_36, %dma_start3A_37] : memref<16x128xf32, #tpu.memory_space<vmem>> -> memref<8x128xf32, #tpu.memory_space<vmem>>
      tpu.enqueue_dma source(%dma_start3A_38 : memref<8x128xf32, #tpu.memory_space<vmem>>) target(%dma_start3A_35 : memref<8x128xf32, #tpu.memory_space<vmem_shared>>) target_semaphore(%run_scoped3A : memref<!tpu.dma_semaphore, #tpu.memory_space<semaphore_mem>>)
      %dma_wait3A = arith.constant 0 : i32
      %dma_wait3A_39 = arith.constant 0 : i32
      %dma_wait3A_40 = tpu.memref_slice %arg6[%dma_wait3A, %dma_wait3A_39] : memref<16x128xf32, #tpu.memory_space<vmem>> -> memref<8x128xf32, #tpu.memory_space<vmem>>
      %dma_wait3A_41 = arith.constant 0 : i32
      %dma_wait3A_42 = tpu.memref_slice %arg7[%add3A_21, %dma_wait3A_41] : memref<10112x128xf32, #tpu.memory_space<vmem_shared>> -> memref<8x128xf32, #tpu.memory_space<vmem_shared>>
      %dma_wait3A_43 = arith.constant 0 : i32
      %dma_wait3A_44 = tpu.memref_slice %arg7[%add3A_21, %dma_wait3A_43] : memref<10112x128xf32, #tpu.memory_space<vmem_shared>> -> memref<8x128xf32, #tpu.memory_space<vmem_shared>>
      %dma_wait3A_45 = arith.constant 0 : i32
      %dma_wait3A_46 = arith.constant 0 : i32
      %dma_wait3A_47 = tpu.memref_slice %arg6[%dma_wait3A_45, %dma_wait3A_46] : memref<16x128xf32, #tpu.memory_space<vmem>> -> memref<8x128xf32, #tpu.memory_space<vmem>>
      tpu.wait_dma2 semaphore(%run_scoped3A : memref<!tpu.dma_semaphore, #tpu.memory_space<semaphore_mem>>) src(%dma_wait3A_47 : memref<8x128xf32, #tpu.memory_space<vmem>>) dst(%dma_wait3A_44 : memref<8x128xf32, #tpu.memory_space<vmem_shared>>)
      tpu.yield
    }) : () -> ()
    %barrier3A = arith.constant 0 : index
    tpu.barrier barrier_id(%barrier3A)
    %scan3A_22 = arith.constant 0 : i32
    %scan3A_23 = arith.constant 2 : i32
    %scan3A_24 = arith.addi %scan3A_22, %scan3A_23 : i32
    %scan3A_25 = arith.constant 1 : i32
    scf.for %scan3A_30 = %scan3A_22 to %scan3A_24 step %scan3A_25  : i32 {
      %mul3A_31 = arith.constant 1 : i32
      %mul3A_32 = arith.muli %scan3A_30, %mul3A_31 : i32
      %add3A_33 = arith.constant 0 : i32
      %add3A_34 = arith.addi %add3A_33, %mul3A_32 : i32
      %mul3A_35 = arith.constant 80 : i32
      %mul3A_36 = arith.muli %add3A, %mul3A_35 : i32
      %mul3A_37 = arith.constant 40 : i32
      %mul3A_38 = arith.muli %add3A_34, %mul3A_37 : i32
      %add3A_39 = arith.addi %mul3A_36, %mul3A_38 : i32
      "tpu.region"() ({
        %run_scoped3A = tpu.sem_alloc : memref<!tpu.dma_semaphore, #tpu.memory_space<semaphore_mem>>
        %dma_start3A = arith.constant 0 : i32
        %dma_start3A_45 = tpu.memref_slice %arg2[%add3A_39, %dma_start3A] : memref<2560x128xi32, #tpu.memory_space<hbm>> -> memref<40x128xi32, #tpu.memory_space<hbm>>
        %dma_start3A_46 = arith.constant 0 : i32
        %dma_start3A_47 = tpu.memref_slice %arg2[%add3A_39, %dma_start3A_46] : memref<2560x128xi32, #tpu.memory_space<hbm>> -> memref<40x128xi32, #tpu.memory_space<hbm>>
        tpu.enqueue_dma source(%dma_start3A_47 : memref<40x128xi32, #tpu.memory_space<hbm>>) target(%arg4 : memref<40x128xi32, #tpu.memory_space<vmem>>) target_semaphore(%run_scoped3A : memref<!tpu.dma_semaphore, #tpu.memory_space<semaphore_mem>>)
        %dma_wait3A = arith.constant 0 : i32
        %dma_wait3A_48 = tpu.memref_slice %arg2[%add3A_39, %dma_wait3A] : memref<2560x128xi32, #tpu.memory_space<hbm>> -> memref<40x128xi32, #tpu.memory_space<hbm>>
        %dma_wait3A_49 = arith.constant 0 : i32
        %dma_wait3A_50 = tpu.memref_slice %arg2[%add3A_39, %dma_wait3A_49] : memref<2560x128xi32, #tpu.memory_space<hbm>> -> memref<40x128xi32, #tpu.memory_space<hbm>>
        tpu.wait_dma2 semaphore(%run_scoped3A : memref<!tpu.dma_semaphore, #tpu.memory_space<semaphore_mem>>) src(%dma_wait3A_50 : memref<40x128xi32, #tpu.memory_space<hbm>>) dst(%arg4 : memref<40x128xi32, #tpu.memory_space<vmem>>)
        tpu.yield
      }) : () -> ()
      %scan3A_40 = arith.constant 0 : i32
      %scan3A_41 = arith.constant 40 : i32
      %scan3A_42 = arith.addi %scan3A_40, %scan3A_41 : i32
      %scan3A_43 = arith.constant 1 : i32
      scf.for %scan3A_45 = %scan3A_40 to %scan3A_42 step %scan3A_43  : i32 {
        %mul3A_46 = arith.constant 1 : i32
        %mul3A_47 = arith.muli %scan3A_45, %mul3A_46 : i32
        %add3A_48 = arith.constant 0 : i32
        %add3A_49 = arith.addi %add3A_48, %mul3A_47 : i32
        "tpu.region"() ({
          %run_scoped3A = tpu.sem_alloc : memref<!tpu.dma_semaphore, #tpu.memory_space<semaphore_mem>>
          %dma_start3A = arith.constant 0 : i32
          %dma_start3A_50 = tpu.memref_slice %arg4[%add3A_49, %dma_start3A] : memref<40x128xi32, #tpu.memory_space<vmem>> -> memref<1x128xi32, #tpu.memory_space<vmem>>
          %dma_start3A_51 = tpu.memref_squeeze %dma_start3A_50 : memref<1x128xi32, #tpu.memory_space<vmem>> -> memref<128xi32, #tpu.memory_space<vmem>>
          %dma_start3A_52 = arith.constant 0 : i32
          %dma_start3A_53 = arith.constant 0 : i32
          %dma_start3A_54 = tpu.memref_slice %arg7[%dma_start3A_52, %dma_start3A_53] : memref<10112x128xf32, #tpu.memory_space<vmem_shared>> -> memref<10112x128xf32, #tpu.memory_space<vmem_shared>>
          tpu.enqueue_indirect_dma source(%arg5 : memref<128x128xf32, #tpu.memory_space<vmem>>) target(%dma_start3A_54 : memref<10112x128xf32, #tpu.memory_space<vmem_shared>>) offsets(%dma_start3A_51 : memref<128xi32, #tpu.memory_space<vmem>>) semaphore(%run_scoped3A : memref<!tpu.dma_semaphore, #tpu.memory_space<semaphore_mem>>) {add = true}
          %dma_wait3A = arith.constant 0 : i32
          %dma_wait3A_55 = tpu.memref_slice %arg4[%add3A_49, %dma_wait3A] : memref<40x128xi32, #tpu.memory_space<vmem>> -> memref<1x128xi32, #tpu.memory_space<vmem>>
          %dma_wait3A_56 = tpu.memref_squeeze %dma_wait3A_55 : memref<1x128xi32, #tpu.memory_space<vmem>> -> memref<128xi32, #tpu.memory_space<vmem>>
          %dma_wait3A_57 = arith.constant 0 : i32
          %dma_wait3A_58 = arith.constant 0 : i32
          %dma_wait3A_59 = tpu.memref_slice %arg7[%dma_wait3A_57, %dma_wait3A_58] : memref<10112x128xf32, #tpu.memory_space<vmem_shared>> -> memref<10112x128xf32, #tpu.memory_space<vmem_shared>>
          tpu.wait_indirect_dma semaphore(%run_scoped3A : memref<!tpu.dma_semaphore, #tpu.memory_space<semaphore_mem>>) src(%arg5 : memref<128x128xf32, #tpu.memory_space<vmem>>) dst(%dma_wait3A_59 : memref<10112x128xf32, #tpu.memory_space<vmem_shared>>)
          tpu.yield
        }) : () -> ()
      }
      %scan3A_44 = arith.constant 40 : i32
    }
    %scan3A_26 = arith.constant 2 : i32
    %barrier3A_27 = arith.constant 0 : index
    tpu.barrier barrier_id(%barrier3A_27)
    %mul3A_28 = arith.constant 632 : i32
    %mul3A_29 = arith.muli %arg1, %mul3A_28 : i32
    "tpu.region"() ({
      %run_scoped3A = tpu.sem_alloc : memref<!tpu.dma_semaphore, #tpu.memory_space<semaphore_mem>>
      %dma_start3A = arith.constant 0 : i32
      %dma_start3A_30 = tpu.memref_slice %arg3[%arg0, %mul3A_29, %dma_start3A] : memref<2x10112x128xf32, #tpu.memory_space<hbm>> -> memref<1x632x128xf32, #tpu.memory_space<hbm>>
      %dma_start3A_31 = tpu.memref_squeeze %dma_start3A_30 : memref<1x632x128xf32, #tpu.memory_space<hbm>> -> memref<632x128xf32, #tpu.memory_space<hbm>>
      %dma_start3A_32 = arith.constant 0 : i32
      %dma_start3A_33 = tpu.memref_slice %arg7[%mul3A_29, %dma_start3A_32] : memref<10112x128xf32, #tpu.memory_space<vmem_shared>> -> memref<632x128xf32, #tpu.memory_space<vmem_shared>>
      tpu.enqueue_dma source(%dma_start3A_33 : memref<632x128xf32, #tpu.memory_space<vmem_shared>>) target(%dma_start3A_31 : memref<632x128xf32, #tpu.memory_space<hbm>>) target_semaphore(%run_scoped3A : memref<!tpu.dma_semaphore, #tpu.memory_space<semaphore_mem>>)
      %dma_wait3A = arith.constant 0 : i32
      %dma_wait3A_34 = tpu.memref_slice %arg3[%arg0, %mul3A_29, %dma_wait3A] : memref<2x10112x128xf32, #tpu.memory_space<hbm>> -> memref<1x632x128xf32, #tpu.memory_space<hbm>>
      %dma_wait3A_35 = tpu.memref_squeeze %dma_wait3A_34 : memref<1x632x128xf32, #tpu.memory_space<hbm>> -> memref<632x128xf32, #tpu.memory_space<hbm>>
      %dma_wait3A_36 = arith.constant 0 : i32
      %dma_wait3A_37 = tpu.memref_slice %arg7[%mul3A_29, %dma_wait3A_36] : memref<10112x128xf32, #tpu.memory_space<vmem_shared>> -> memref<632x128xf32, #tpu.memory_space<vmem_shared>>
      tpu.wait_dma2 semaphore(%run_scoped3A : memref<!tpu.dma_semaphore, #tpu.memory_space<semaphore_mem>>) src(%dma_wait3A_37 : memref<632x128xf32, #tpu.memory_space<vmem_shared>>) dst(%dma_wait3A_35 : memref<632x128xf32, #tpu.memory_space<hbm>>)
      tpu.yield
    }) : () -> ()
    return
  }
}

#map = affine_map<(d0, d1) -> (0, 0)>
#map1 = affine_map<(d0, d1) -> (0, 0, 0)>
module attributes {stable_mosaic.version = 14 : i64} {
  func.func @_sc_pass2(%arg0: i32, %arg1: i32, %arg2: memref<20000x128xf32, #tpu.memory_space<hbm>>, %arg3: memref<2x2560x128xi32, #tpu.memory_space<hbm>>, %arg4: memref<2560x128xi32, #tpu.memory_space<hbm>>, %arg5: memref<2x10112x128xf32, #tpu.memory_space<hbm>>, %arg6: memref<32x128xi32, #tpu.memory_space<vmem>>, %arg7: memref<32x128xi32, #tpu.memory_space<vmem>>, %arg8: memref<128x128xf32, #tpu.memory_space<vmem>>, %arg9: memref<128x128xf32, #tpu.memory_space<vmem>>, %arg10: memref<16x128xf32, #tpu.memory_space<vmem>>, %arg11: memref<10112x128xf32, #tpu.memory_space<vmem_shared>>, %arg12: memref<!tpu.dma_semaphore, #tpu.memory_space<semaphore_mem>>, %arg13: memref<!tpu.dma_semaphore, #tpu.memory_space<semaphore_mem>>, %arg14: memref<!tpu.dma_semaphore, #tpu.memory_space<semaphore_mem>>, %arg15: memref<!tpu.dma_semaphore, #tpu.memory_space<semaphore_mem>>) attributes {dimension_semantics = [#tpu.dimension_semantics<core_parallel>, #tpu.dimension_semantics<subcore_parallel>], iteration_bounds = array<i64: 2, 16>, scalar_prefetch = 0 : i64, scratch_operands = 10 : i64, tpu.core_type = #tpu.core_type<sc_vector_subcore>, window_params = [{transform_indices = #map}, {transform_indices = #map1}, {transform_indices = #map}, {transform_indices = #map1}]} {
    %broadcast_in_dim3A = arith.constant 0.000000e+00 : f32
    %broadcast_in_dim3A_0 = vector.broadcast %broadcast_in_dim3A : f32 to vector<16xf32>
    %scan3A = arith.constant 0 : i32
    %scan3A_1 = arith.constant 16 : i32
    %scan3A_2 = arith.addi %scan3A, %scan3A_1 : i32
    %scan3A_3 = arith.constant 1 : i32
    scf.for %scan3A_20 = %scan3A to %scan3A_2 step %scan3A_3  : i32 {
      %mul3A_21 = arith.constant 1 : i32
      %mul3A_22 = arith.muli %scan3A_20, %mul3A_21 : i32
      %add3A_23 = arith.constant 0 : i32
      %add3A_24 = arith.addi %add3A_23, %mul3A_22 : i32
      %scan3A_25 = arith.constant 0 : i32
      %scan3A_26 = arith.constant 8 : i32
      %scan3A_27 = arith.addi %scan3A_25, %scan3A_26 : i32
      %scan3A_28 = arith.constant 1 : i32
      scf.for %scan3A_30 = %scan3A_25 to %scan3A_27 step %scan3A_28  : i32 {
        %mul3A_31 = arith.constant 1 : i32
        %mul3A_32 = arith.muli %scan3A_30, %mul3A_31 : i32
        %add3A_33 = arith.constant 0 : i32
        %add3A_34 = arith.addi %add3A_33, %mul3A_32 : i32
        %mul3A_35 = arith.constant 16 : i32
        %mul3A_36 = arith.muli %add3A_34, %mul3A_35 : i32
        %swap3A = arith.index_cast %add3A_24 : i32 to index
        %swap3A_37 = arith.index_cast %mul3A_36 : i32 to index
        %swap3A_38 = tpu.vector_load %arg10[%swap3A, %swap3A_37] {strides = array<i32>} : memref<16x128xf32, #tpu.memory_space<vmem>>, vector<1x16xf32>,
        %swap3A_39 = vector.shape_cast %swap3A_38 : vector<1x16xf32> to vector<16xf32>
        %swap3A_40 = vector.shape_cast %broadcast_in_dim3A_0 : vector<16xf32> to vector<1x16xf32>
        tpu.vector_store %arg10[%swap3A, %swap3A_37], %swap3A_40 {strides = array<i32>} : memref<16x128xf32, #tpu.memory_space<vmem>>, vector<1x16xf32>,
      }
      %scan3A_29 = arith.constant 8 : i32
    }
    %scan3A_4 = arith.constant 16 : i32
    %scan3A_5 = arith.constant 0 : i32
    %scan3A_6 = arith.constant 39 : i32
    %scan3A_7 = arith.addi %scan3A_5, %scan3A_6 : i32
    %scan3A_8 = arith.constant 1 : i32
    scf.for %scan3A_20 = %scan3A_5 to %scan3A_7 step %scan3A_8  : i32 {
      %mul3A_21 = arith.constant 1 : i32
      %mul3A_22 = arith.muli %scan3A_20, %mul3A_21 : i32
      %add3A_23 = arith.constant 0 : i32
      %add3A_24 = arith.addi %add3A_23, %mul3A_22 : i32
      %mul3A_25 = arith.constant 632 : i32
      %mul3A_26 = arith.muli %arg1, %mul3A_25 : i32
      %mul3A_27 = arith.constant 16 : i32
      %mul3A_28 = arith.muli %add3A_24, %mul3A_27 : i32
      %add3A_29 = arith.addi %mul3A_26, %mul3A_28 : i32
      "tpu.region"() ({
        %run_scoped3A = tpu.sem_alloc : memref<!tpu.dma_semaphore, #tpu.memory_space<semaphore_mem>>
        %dma_start3A = arith.constant 0 : i32
        %dma_start3A_30 = tpu.memref_slice %arg11[%add3A_29, %dma_start3A] : memref<10112x128xf32, #tpu.memory_space<vmem_shared>> -> memref<16x128xf32, #tpu.memory_space<vmem_shared>>
        %dma_start3A_31 = arith.constant 0 : i32
        %dma_start3A_32 = tpu.memref_slice %arg11[%add3A_29, %dma_start3A_31] : memref<10112x128xf32, #tpu.memory_space<vmem_shared>> -> memref<16x128xf32, #tpu.memory_space<vmem_shared>>
        tpu.enqueue_dma source(%arg10 : memref<16x128xf32, #tpu.memory_space<vmem>>) target(%dma_start3A_32 : memref<16x128xf32, #tpu.memory_space<vmem_shared>>) target_semaphore(%run_scoped3A : memref<!tpu.dma_semaphore, #tpu.memory_space<semaphore_mem>>)
        %dma_wait3A = arith.constant 0 : i32
        %dma_wait3A_33 = tpu.memref_slice %arg11[%add3A_29, %dma_wait3A] : memref<10112x128xf32, #tpu.memory_space<vmem_shared>> -> memref<16x128xf32, #tpu.memory_space<vmem_shared>>
        %dma_wait3A_34 = arith.constant 0 : i32
        %dma_wait3A_35 = tpu.memref_slice %arg11[%add3A_29, %dma_wait3A_34] : memref<10112x128xf32, #tpu.memory_space<vmem_shared>> -> memref<16x128xf32, #tpu.memory_space<vmem_shared>>
        tpu.wait_dma2 semaphore(%run_scoped3A : memref<!tpu.dma_semaphore, #tpu.memory_space<semaphore_mem>>) src(%arg10 : memref<16x128xf32, #tpu.memory_space<vmem>>) dst(%dma_wait3A_35 : memref<16x128xf32, #tpu.memory_space<vmem_shared>>)
        tpu.yield
      }) : () -> ()
    }
    %scan3A_9 = arith.constant 39 : i32
    %mul3A = arith.constant 632 : i32
    %mul3A_10 = arith.muli %arg1, %mul3A : i32
    %add3A = arith.constant 624 : i32
    %add3A_11 = arith.addi %mul3A_10, %add3A : i32
    "tpu.region"() ({
      %run_scoped3A = tpu.sem_alloc : memref<!tpu.dma_semaphore, #tpu.memory_space<semaphore_mem>>
      %dma_start3A = arith.constant 0 : i32
      %dma_start3A_20 = arith.constant 0 : i32
      %dma_start3A_21 = tpu.memref_slice %arg10[%dma_start3A, %dma_start3A_20] : memref<16x128xf32, #tpu.memory_space<vmem>> -> memref<8x128xf32, #tpu.memory_space<vmem>>
      %dma_start3A_22 = arith.constant 0 : i32
      %dma_start3A_23 = tpu.memref_slice %arg11[%add3A_11, %dma_start3A_22] : memref<10112x128xf32, #tpu.memory_space<vmem_shared>> -> memref<8x128xf32, #tpu.memory_space<vmem_shared>>
      %dma_start3A_24 = arith.constant 0 : i32
      %dma_start3A_25 = tpu.memref_slice %arg11[%add3A_11, %dma_start3A_24] : memref<10112x128xf32, #tpu.memory_space<vmem_shared>> -> memref<8x128xf32, #tpu.memory_space<vmem_shared>>
      %dma_start3A_26 = arith.constant 0 : i32
      %dma_start3A_27 = arith.constant 0 : i32
      %dma_start3A_28 = tpu.memref_slice %arg10[%dma_start3A_26, %dma_start3A_27] : memref<16x128xf32, #tpu.memory_space<vmem>> -> memref<8x128xf32, #tpu.memory_space<vmem>>
      tpu.enqueue_dma source(%dma_start3A_28 : memref<8x128xf32, #tpu.memory_space<vmem>>) target(%dma_start3A_25 : memref<8x128xf32, #tpu.memory_space<vmem_shared>>) target_semaphore(%run_scoped3A : memref<!tpu.dma_semaphore, #tpu.memory_space<semaphore_mem>>)
      %dma_wait3A = arith.constant 0 : i32
      %dma_wait3A_29 = arith.constant 0 : i32
      %dma_wait3A_30 = tpu.memref_slice %arg10[%dma_wait3A, %dma_wait3A_29] : memref<16x128xf32, #tpu.memory_space<vmem>> -> memref<8x128xf32, #tpu.memory_space<vmem>>
      %dma_wait3A_31 = arith.constant 0 : i32
      %dma_wait3A_32 = tpu.memref_slice %arg11[%add3A_11, %dma_wait3A_31] : memref<10112x128xf32, #tpu.memory_space<vmem_shared>> -> memref<8x128xf32, #tpu.memory_space<vmem_shared>>
      %dma_wait3A_33 = arith.constant 0 : i32
      %dma_wait3A_34 = tpu.memref_slice %arg11[%add3A_11, %dma_wait3A_33] : memref<10112x128xf32, #tpu.memory_space<vmem_shared>> -> memref<8x128xf32, #tpu.memory_space<vmem_shared>>
      %dma_wait3A_35 = arith.constant 0 : i32
      %dma_wait3A_36 = arith.constant 0 : i32
      %dma_wait3A_37 = tpu.memref_slice %arg10[%dma_wait3A_35, %dma_wait3A_36] : memref<16x128xf32, #tpu.memory_space<vmem>> -> memref<8x128xf32, #tpu.memory_space<vmem>>
      tpu.wait_dma2 semaphore(%run_scoped3A : memref<!tpu.dma_semaphore, #tpu.memory_space<semaphore_mem>>) src(%dma_wait3A_37 : memref<8x128xf32, #tpu.memory_space<vmem>>) dst(%dma_wait3A_34 : memref<8x128xf32, #tpu.memory_space<vmem_shared>>)
      tpu.yield
    }) : () -> ()
    %barrier3A = arith.constant 0 : index
    tpu.barrier barrier_id(%barrier3A)
    %scan3A_12 = arith.constant 0 : i32
    %scan3A_13 = arith.constant 5 : i32
    %scan3A_14 = arith.addi %scan3A_12, %scan3A_13 : i32
    %scan3A_15 = arith.constant 1 : i32
    scf.for %scan3A_20 = %scan3A_12 to %scan3A_14 step %scan3A_15  : i32 {
      %mul3A_21 = arith.constant 1 : i32
      %mul3A_22 = arith.muli %scan3A_20, %mul3A_21 : i32
      %add3A_23 = arith.constant 0 : i32
      %add3A_24 = arith.addi %add3A_23, %mul3A_22 : i32
      %mul3A_25 = arith.constant 160 : i32
      %mul3A_26 = arith.muli %arg1, %mul3A_25 : i32
      %mul3A_27 = arith.constant 32 : i32
      %mul3A_28 = arith.muli %add3A_24, %mul3A_27 : i32
      %add3A_29 = arith.addi %mul3A_26, %mul3A_28 : i32
      "tpu.region"() ({
        %run_scoped3A = tpu.sem_alloc : memref<!tpu.dma_semaphore, #tpu.memory_space<semaphore_mem>>
        %dma_start3A_41 = arith.constant 0 : i32
        %dma_start3A_42 = tpu.memref_slice %arg3[%arg0, %add3A_29, %dma_start3A_41] : memref<2x2560x128xi32, #tpu.memory_space<hbm>> -> memref<1x32x128xi32, #tpu.memory_space<hbm>>
        %dma_start3A_43 = tpu.memref_squeeze %dma_start3A_42 : memref<1x32x128xi32, #tpu.memory_space<hbm>> -> memref<32x128xi32, #tpu.memory_space<hbm>>
        %dma_start3A_44 = arith.constant 0 : i32
        %dma_start3A_45 = tpu.memref_slice %arg3[%arg0, %add3A_29, %dma_start3A_44] : memref<2x2560x128xi32, #tpu.memory_space<hbm>> -> memref<1x32x128xi32, #tpu.memory_space<hbm>>
        %dma_start3A_46 = tpu.memref_squeeze %dma_start3A_45 : memref<1x32x128xi32, #tpu.memory_space<hbm>> -> memref<32x128xi32, #tpu.memory_space<hbm>>
        tpu.enqueue_dma source(%dma_start3A_46 : memref<32x128xi32, #tpu.memory_space<hbm>>) target(%arg6 : memref<32x128xi32, #tpu.memory_space<vmem>>) target_semaphore(%run_scoped3A : memref<!tpu.dma_semaphore, #tpu.memory_space<semaphore_mem>>)
        %dma_wait3A = arith.constant 0 : i32
        %dma_wait3A_47 = tpu.memref_slice %arg3[%arg0, %add3A_29, %dma_wait3A] : memref<2x2560x128xi32, #tpu.memory_space<hbm>> -> memref<1x32x128xi32, #tpu.memory_space<hbm>>
        %dma_wait3A_48 = tpu.memref_squeeze %dma_wait3A_47 : memref<1x32x128xi32, #tpu.memory_space<hbm>> -> memref<32x128xi32, #tpu.memory_space<hbm>>
        %dma_wait3A_49 = arith.constant 0 : i32
        %dma_wait3A_50 = tpu.memref_slice %arg3[%arg0, %add3A_29, %dma_wait3A_49] : memref<2x2560x128xi32, #tpu.memory_space<hbm>> -> memref<1x32x128xi32, #tpu.memory_space<hbm>>
        %dma_wait3A_51 = tpu.memref_squeeze %dma_wait3A_50 : memref<1x32x128xi32, #tpu.memory_space<hbm>> -> memref<32x128xi32, #tpu.memory_space<hbm>>
        tpu.wait_dma2 semaphore(%run_scoped3A : memref<!tpu.dma_semaphore, #tpu.memory_space<semaphore_mem>>) src(%dma_wait3A_51 : memref<32x128xi32, #tpu.memory_space<hbm>>) dst(%arg6 : memref<32x128xi32, #tpu.memory_space<vmem>>)
        tpu.yield
      }) : () -> ()
      "tpu.region"() ({
        %run_scoped3A = tpu.sem_alloc : memref<!tpu.dma_semaphore, #tpu.memory_space<semaphore_mem>>
        %dma_start3A_41 = arith.constant 0 : i32
        %dma_start3A_42 = tpu.memref_slice %arg4[%add3A_29, %dma_start3A_41] : memref<2560x128xi32, #tpu.memory_space<hbm>> -> memref<32x128xi32, #tpu.memory_space<hbm>>
        %dma_start3A_43 = arith.constant 0 : i32
        %dma_start3A_44 = tpu.memref_slice %arg4[%add3A_29, %dma_start3A_43] : memref<2560x128xi32, #tpu.memory_space<hbm>> -> memref<32x128xi32, #tpu.memory_space<hbm>>
        tpu.enqueue_dma source(%dma_start3A_44 : memref<32x128xi32, #tpu.memory_space<hbm>>) target(%arg7 : memref<32x128xi32, #tpu.memory_space<vmem>>) target_semaphore(%run_scoped3A : memref<!tpu.dma_semaphore, #tpu.memory_space<semaphore_mem>>)
        %dma_wait3A = arith.constant 0 : i32
        %dma_wait3A_45 = tpu.memref_slice %arg4[%add3A_29, %dma_wait3A] : memref<2560x128xi32, #tpu.memory_space<hbm>> -> memref<32x128xi32, #tpu.memory_space<hbm>>
        %dma_wait3A_46 = arith.constant 0 : i32
        %dma_wait3A_47 = tpu.memref_slice %arg4[%add3A_29, %dma_wait3A_46] : memref<2560x128xi32, #tpu.memory_space<hbm>> -> memref<32x128xi32, #tpu.memory_space<hbm>>
        tpu.wait_dma2 semaphore(%run_scoped3A : memref<!tpu.dma_semaphore, #tpu.memory_space<semaphore_mem>>) src(%dma_wait3A_47 : memref<32x128xi32, #tpu.memory_space<hbm>>) dst(%arg7 : memref<32x128xi32, #tpu.memory_space<vmem>>)
        tpu.yield
      }) : () -> ()
      %dma_start3A = arith.constant 0 : i32
      %dma_start3A_30 = arith.constant 0 : i32
      %dma_start3A_31 = tpu.memref_slice %arg6[%dma_start3A, %dma_start3A_30] : memref<32x128xi32, #tpu.memory_space<vmem>> -> memref<1x128xi32, #tpu.memory_space<vmem>>
      %dma_start3A_32 = tpu.memref_squeeze %dma_start3A_31 : memref<1x128xi32, #tpu.memory_space<vmem>> -> memref<128xi32, #tpu.memory_space<vmem>>
      %dma_start3A_33 = arith.constant 0 : i32
      %dma_start3A_34 = arith.constant 0 : i32
      %dma_start3A_35 = tpu.memref_slice %arg2[%dma_start3A_33, %dma_start3A_34] : memref<20000x128xf32, #tpu.memory_space<hbm>> -> memref<20000x128xf32, #tpu.memory_space<hbm>>
      tpu.enqueue_indirect_dma source(%dma_start3A_35 : memref<20000x128xf32, #tpu.memory_space<hbm>>) target(%arg8 : memref<128x128xf32, #tpu.memory_space<vmem>>) offsets(%dma_start3A_32 : memref<128xi32, #tpu.memory_space<vmem>>) semaphore(%arg12 : memref<!tpu.dma_semaphore, #tpu.memory_space<semaphore_mem>>)
      %scan3A_36 = arith.constant 0 : i32
      %scan3A_37 = arith.constant 16 : i32
      %scan3A_38 = arith.addi %scan3A_36, %scan3A_37 : i32
      %scan3A_39 = arith.constant 1 : i32
      scf.for %scan3A_41 = %scan3A_36 to %scan3A_38 step %scan3A_39  : i32 {
        %mul3A_42 = arith.constant 2 : i32
        %mul3A_43 = arith.muli %scan3A_41, %mul3A_42 : i32
        %add3A_44 = arith.constant 0 : i32
        %add3A_45 = arith.addi %add3A_44, %mul3A_43 : i32
        %dma_wait3A = arith.constant 0 : i32
        %dma_wait3A_46 = tpu.memref_slice %arg6[%add3A_45, %dma_wait3A] : memref<32x128xi32, #tpu.memory_space<vmem>> -> memref<1x128xi32, #tpu.memory_space<vmem>>
        %dma_wait3A_47 = tpu.memref_squeeze %dma_wait3A_46 : memref<1x128xi32, #tpu.memory_space<vmem>> -> memref<128xi32, #tpu.memory_space<vmem>>
        %dma_wait3A_48 = arith.constant 0 : i32
        %dma_wait3A_49 = arith.constant 0 : i32
        %dma_wait3A_50 = tpu.memref_slice %arg2[%dma_wait3A_48, %dma_wait3A_49] : memref<20000x128xf32, #tpu.memory_space<hbm>> -> memref<20000x128xf32, #tpu.memory_space<hbm>>
        tpu.wait_indirect_dma semaphore(%arg12 : memref<!tpu.dma_semaphore, #tpu.memory_space<semaphore_mem>>) src(%dma_wait3A_50 : memref<20000x128xf32, #tpu.memory_space<hbm>>) dst(%arg8 : memref<128x128xf32, #tpu.memory_space<vmem>>)
        %add3A_51 = arith.constant 1 : i32
        %add3A_52 = arith.addi %add3A_45, %add3A_51 : i32
        %dma_start3A_53 = arith.constant 0 : i32
        %dma_start3A_54 = tpu.memref_slice %arg6[%add3A_52, %dma_start3A_53] : memref<32x128xi32, #tpu.memory_space<vmem>> -> memref<1x128xi32, #tpu.memory_space<vmem>>
        %dma_start3A_55 = tpu.memref_squeeze %dma_start3A_54 : memref<1x128xi32, #tpu.memory_space<vmem>> -> memref<128xi32, #tpu.memory_space<vmem>>
        %dma_start3A_56 = arith.constant 0 : i32
        %dma_start3A_57 = arith.constant 0 : i32
        %dma_start3A_58 = tpu.memref_slice %arg2[%dma_start3A_56, %dma_start3A_57] : memref<20000x128xf32, #tpu.memory_space<hbm>> -> memref<20000x128xf32, #tpu.memory_space<hbm>>
        tpu.enqueue_indirect_dma source(%dma_start3A_58 : memref<20000x128xf32, #tpu.memory_space<hbm>>) target(%arg9 : memref<128x128xf32, #tpu.memory_space<vmem>>) offsets(%dma_start3A_55 : memref<128xi32, #tpu.memory_space<vmem>>) semaphore(%arg13 : memref<!tpu.dma_semaphore, #tpu.memory_space<semaphore_mem>>)
        "tpu.region"() ({
          %run_scoped3A = tpu.sem_alloc : memref<!tpu.dma_semaphore, #tpu.memory_space<semaphore_mem>>
          %dma_start3A_73 = arith.constant 0 : i32
          %dma_start3A_74 = tpu.memref_slice %arg7[%add3A_45, %dma_start3A_73] : memref<32x128xi32, #tpu.memory_space<vmem>> -> memref<1x128xi32, #tpu.memory_space<vmem>>
          %dma_start3A_75 = tpu.memref_squeeze %dma_start3A_74 : memref<1x128xi32, #tpu.memory_space<vmem>> -> memref<128xi32, #tpu.memory_space<vmem>>
          %dma_start3A_76 = arith.constant 0 : i32
          %dma_start3A_77 = arith.constant 0 : i32
          %dma_start3A_78 = tpu.memref_slice %arg11[%dma_start3A_76, %dma_start3A_77] : memref<10112x128xf32, #tpu.memory_space<vmem_shared>> -> memref<10112x128xf32, #tpu.memory_space<vmem_shared>>
          tpu.enqueue_indirect_dma source(%arg8 : memref<128x128xf32, #tpu.memory_space<vmem>>) target(%dma_start3A_78 : memref<10112x128xf32, #tpu.memory_space<vmem_shared>>) offsets(%dma_start3A_75 : memref<128xi32, #tpu.memory_space<vmem>>) semaphore(%run_scoped3A : memref<!tpu.dma_semaphore, #tpu.memory_space<semaphore_mem>>) {add = true}
          %dma_wait3A_79 = arith.constant 0 : i32
          %dma_wait3A_80 = tpu.memref_slice %arg7[%add3A_45, %dma_wait3A_79] : memref<32x128xi32, #tpu.memory_space<vmem>> -> memref<1x128xi32, #tpu.memory_space<vmem>>
          %dma_wait3A_81 = tpu.memref_squeeze %dma_wait3A_80 : memref<1x128xi32, #tpu.memory_space<vmem>> -> memref<128xi32, #tpu.memory_space<vmem>>
          %dma_wait3A_82 = arith.constant 0 : i32
          %dma_wait3A_83 = arith.constant 0 : i32
          %dma_wait3A_84 = tpu.memref_slice %arg11[%dma_wait3A_82, %dma_wait3A_83] : memref<10112x128xf32, #tpu.memory_space<vmem_shared>> -> memref<10112x128xf32, #tpu.memory_space<vmem_shared>>
          tpu.wait_indirect_dma semaphore(%run_scoped3A : memref<!tpu.dma_semaphore, #tpu.memory_space<semaphore_mem>>) src(%arg8 : memref<128x128xf32, #tpu.memory_space<vmem>>) dst(%dma_wait3A_84 : memref<10112x128xf32, #tpu.memory_space<vmem_shared>>)
          tpu.yield
        }) : () -> ()
        %add3A_59 = arith.constant 1 : i32
        %add3A_60 = arith.addi %add3A_45, %add3A_59 : i32
        %dma_wait3A_61 = arith.constant 0 : i32
        %dma_wait3A_62 = tpu.memref_slice %arg6[%add3A_60, %dma_wait3A_61] : memref<32x128xi32, #tpu.memory_space<vmem>> -> memref<1x128xi32, #tpu.memory_space<vmem>>
        %dma_wait3A_63 = tpu.memref_squeeze %dma_wait3A_62 : memref<1x128xi32, #tpu.memory_space<vmem>> -> memref<128xi32, #tpu.memory_space<vmem>>
        %dma_wait3A_64 = arith.constant 0 : i32
        %dma_wait3A_65 = arith.constant 0 : i32
        %dma_wait3A_66 = tpu.memref_slice %arg2[%dma_wait3A_64, %dma_wait3A_65] : memref<20000x128xf32, #tpu.memory_space<hbm>> -> memref<20000x128xf32, #tpu.memory_space<hbm>>
        tpu.wait_indirect_dma semaphore(%arg13 : memref<!tpu.dma_semaphore, #tpu.memory_space<semaphore_mem>>) src(%dma_wait3A_66 : memref<20000x128xf32, #tpu.memory_space<hbm>>) dst(%arg9 : memref<128x128xf32, #tpu.memory_space<vmem>>)
        %add3A_67 = arith.constant 2 : i32
        %add3A_68 = arith.addi %add3A_45, %add3A_67 : i32
        %lt3A = arith.constant 32 : i32
        %lt3A_69 = arith.cmpi slt, %add3A_68, %lt3A : i32
        %convert_element_type3A = arith.extui %lt3A_69 : i1 to i32
        %cond3A = arith.constant 0 : i32
        %cond3A_70 = arith.cmpi ne, %convert_element_type3A, %cond3A : i32
        scf.if %cond3A_70 {
          %add3A_73 = arith.constant 2 : i32
          %add3A_74 = arith.addi %add3A_45, %add3A_73 : i32
          %dma_start3A_75 = arith.constant 0 : i32
          %dma_start3A_76 = tpu.memref_slice %arg6[%add3A_74, %dma_start3A_75] : memref<32x128xi32, #tpu.memory_space<vmem>> -> memref<1x128xi32, #tpu.memory_space<vmem>>
          %dma_start3A_77 = tpu.memref_squeeze %dma_start3A_76 : memref<1x128xi32, #tpu.memory_space<vmem>> -> memref<128xi32, #tpu.memory_space<vmem>>
          %dma_start3A_78 = arith.constant 0 : i32
          %dma_start3A_79 = arith.constant 0 : i32
          %dma_start3A_80 = tpu.memref_slice %arg2[%dma_start3A_78, %dma_start3A_79] : memref<20000x128xf32, #tpu.memory_space<hbm>> -> memref<20000x128xf32, #tpu.memory_space<hbm>>
          tpu.enqueue_indirect_dma source(%dma_start3A_80 : memref<20000x128xf32, #tpu.memory_space<hbm>>) target(%arg8 : memref<128x128xf32, #tpu.memory_space<vmem>>) offsets(%dma_start3A_77 : memref<128xi32, #tpu.memory_space<vmem>>) semaphore(%arg12 : memref<!tpu.dma_semaphore, #tpu.memory_space<semaphore_mem>>)
        } else {
        }
        %add3A_71 = arith.constant 1 : i32
        %add3A_72 = arith.addi %add3A_45, %add3A_71 : i32
        "tpu.region"() ({
          %run_scoped3A = tpu.sem_alloc : memref<!tpu.dma_semaphore, #tpu.memory_space<semaphore_mem>>
          %dma_start3A_73 = arith.constant 0 : i32
          %dma_start3A_74 = tpu.memref_slice %arg7[%add3A_72, %dma_start3A_73] : memref<32x128xi32, #tpu.memory_space<vmem>> -> memref<1x128xi32, #tpu.memory_space<vmem>>
          %dma_start3A_75 = tpu.memref_squeeze %dma_start3A_74 : memref<1x128xi32, #tpu.memory_space<vmem>> -> memref<128xi32, #tpu.memory_space<vmem>>
          %dma_start3A_76 = arith.constant 0 : i32
          %dma_start3A_77 = arith.constant 0 : i32
          %dma_start3A_78 = tpu.memref_slice %arg11[%dma_start3A_76, %dma_start3A_77] : memref<10112x128xf32, #tpu.memory_space<vmem_shared>> -> memref<10112x128xf32, #tpu.memory_space<vmem_shared>>
          tpu.enqueue_indirect_dma source(%arg9 : memref<128x128xf32, #tpu.memory_space<vmem>>) target(%dma_start3A_78 : memref<10112x128xf32, #tpu.memory_space<vmem_shared>>) offsets(%dma_start3A_75 : memref<128xi32, #tpu.memory_space<vmem>>) semaphore(%run_scoped3A : memref<!tpu.dma_semaphore, #tpu.memory_space<semaphore_mem>>) {add = true}
          %dma_wait3A_79 = arith.constant 0 : i32
          %dma_wait3A_80 = tpu.memref_slice %arg7[%add3A_72, %dma_wait3A_79] : memref<32x128xi32, #tpu.memory_space<vmem>> -> memref<1x128xi32, #tpu.memory_space<vmem>>
          %dma_wait3A_81 = tpu.memref_squeeze %dma_wait3A_80 : memref<1x128xi32, #tpu.memory_space<vmem>> -> memref<128xi32, #tpu.memory_space<vmem>>
          %dma_wait3A_82 = arith.constant 0 : i32
          %dma_wait3A_83 = arith.constant 0 : i32
          %dma_wait3A_84 = tpu.memref_slice %arg11[%dma_wait3A_82, %dma_wait3A_83] : memref<10112x128xf32, #tpu.memory_space<vmem_shared>> -> memref<10112x128xf32, #tpu.memory_space<vmem_shared>>
          tpu.wait_indirect_dma semaphore(%run_scoped3A : memref<!tpu.dma_semaphore, #tpu.memory_space<semaphore_mem>>) src(%arg9 : memref<128x128xf32, #tpu.memory_space<vmem>>) dst(%dma_wait3A_84 : memref<10112x128xf32, #tpu.memory_space<vmem_shared>>)
          tpu.yield
        }) : () -> ()
      }
      %scan3A_40 = arith.constant 16 : i32
    }
    %scan3A_16 = arith.constant 5 : i32
    %barrier3A_17 = arith.constant 0 : index
    tpu.barrier barrier_id(%barrier3A_17)
    %mul3A_18 = arith.constant 632 : i32
    %mul3A_19 = arith.muli %arg1, %mul3A_18 : i32
    "tpu.region"() ({
      %run_scoped3A = tpu.sem_alloc : memref<!tpu.dma_semaphore, #tpu.memory_space<semaphore_mem>>
      %dma_start3A = arith.constant 0 : i32
      %dma_start3A_20 = tpu.memref_slice %arg5[%arg0, %mul3A_19, %dma_start3A] : memref<2x10112x128xf32, #tpu.memory_space<hbm>> -> memref<1x632x128xf32, #tpu.memory_space<hbm>>
      %dma_start3A_21 = tpu.memref_squeeze %dma_start3A_20 : memref<1x632x128xf32, #tpu.memory_space<hbm>> -> memref<632x128xf32, #tpu.memory_space<hbm>>
      %dma_start3A_22 = arith.constant 0 : i32
      %dma_start3A_23 = tpu.memref_slice %arg11[%mul3A_19, %dma_start3A_22] : memref<10112x128xf32, #tpu.memory_space<vmem_shared>> -> memref<632x128xf32, #tpu.memory_space<vmem_shared>>
      tpu.enqueue_dma source(%dma_start3A_23 : memref<632x128xf32, #tpu.memory_space<vmem_shared>>) target(%dma_start3A_21 : memref<632x128xf32, #tpu.memory_space<hbm>>) target_semaphore(%run_scoped3A : memref<!tpu.dma_semaphore, #tpu.memory_space<semaphore_mem>>)
      %dma_wait3A = arith.constant 0 : i32
      %dma_wait3A_24 = tpu.memref_slice %arg5[%arg0, %mul3A_19, %dma_wait3A] : memref<2x10112x128xf32, #tpu.memory_space<hbm>> -> memref<1x632x128xf32, #tpu.memory_space<hbm>>
      %dma_wait3A_25 = tpu.memref_squeeze %dma_wait3A_24 : memref<1x632x128xf32, #tpu.memory_space<hbm>> -> memref<632x128xf32, #tpu.memory_space<hbm>>
      %dma_wait3A_26 = arith.constant 0 : i32
      %dma_wait3A_27 = tpu.memref_slice %arg11[%mul3A_19, %dma_wait3A_26] : memref<10112x128xf32, #tpu.memory_space<vmem_shared>> -> memref<632x128xf32, #tpu.memory_space<vmem_shared>>
      tpu.wait_dma2 semaphore(%run_scoped3A : memref<!tpu.dma_semaphore, #tpu.memory_space<semaphore_mem>>) src(%dma_wait3A_27 : memref<632x128xf32, #tpu.memory_space<vmem_shared>>) dst(%dma_wait3A_25 : memref<632x128xf32, #tpu.memory_space<hbm>>)
      tpu.yield
    }) : () -> ()
    return
  }
}

#map = affine_map<(d0, d1) -> (0, 0)>
#map1 = affine_map<(d0, d1) -> (0, 0, 0)>
module attributes {stable_mosaic.version = 14 : i64} {
  func.func @_sc_pass1(%arg0: i32, %arg1: i32, %arg2: memref<10000x128xf32, #tpu.memory_space<hbm>>, %arg3: memref<2560x128xi32, #tpu.memory_space<hbm>>, %arg4: memref<2560x128xi32, #tpu.memory_space<hbm>>, %arg5: memref<2x10112x128xf32, #tpu.memory_space<hbm>>, %arg6: memref<40x128xi32, #tpu.memory_space<vmem>>, %arg7: memref<40x128xi32, #tpu.memory_space<vmem>>, %arg8: memref<128x128xf32, #tpu.memory_space<vmem>>, %arg9: memref<128x128xf32, #tpu.memory_space<vmem>>, %arg10: memref<16x128xf32, #tpu.memory_space<vmem>>, %arg11: memref<10112x128xf32, #tpu.memory_space<vmem_shared>>, %arg12: memref<!tpu.dma_semaphore, #tpu.memory_space<semaphore_mem>>, %arg13: memref<!tpu.dma_semaphore, #tpu.memory_space<semaphore_mem>>, %arg14: memref<!tpu.dma_semaphore, #tpu.memory_space<semaphore_mem>>, %arg15: memref<!tpu.dma_semaphore, #tpu.memory_space<semaphore_mem>>) attributes {dimension_semantics = [#tpu.dimension_semantics<core_parallel>, #tpu.dimension_semantics<subcore_parallel>], iteration_bounds = array<i64: 2, 16>, scalar_prefetch = 0 : i64, scratch_operands = 10 : i64, tpu.core_type = #tpu.core_type<sc_vector_subcore>, window_params = [{transform_indices = #map}, {transform_indices = #map}, {transform_indices = #map}, {transform_indices = #map1}]} {
    %mul3A = arith.constant 16 : i32
    %mul3A_0 = arith.muli %arg0, %mul3A : i32
    %add3A = arith.addi %mul3A_0, %arg1 : i32
    %broadcast_in_dim3A = arith.constant 0.000000e+00 : f32
    %broadcast_in_dim3A_1 = vector.broadcast %broadcast_in_dim3A : f32 to vector<16xf32>
    %scan3A = arith.constant 0 : i32
    %scan3A_2 = arith.constant 16 : i32
    %scan3A_3 = arith.addi %scan3A, %scan3A_2 : i32
    %scan3A_4 = arith.constant 1 : i32
    scf.for %scan3A_23 = %scan3A to %scan3A_3 step %scan3A_4  : i32 {
      %mul3A_24 = arith.constant 1 : i32
      %mul3A_25 = arith.muli %scan3A_23, %mul3A_24 : i32
      %add3A_26 = arith.constant 0 : i32
      %add3A_27 = arith.addi %add3A_26, %mul3A_25 : i32
      %scan3A_28 = arith.constant 0 : i32
      %scan3A_29 = arith.constant 8 : i32
      %scan3A_30 = arith.addi %scan3A_28, %scan3A_29 : i32
      %scan3A_31 = arith.constant 1 : i32
      scf.for %scan3A_33 = %scan3A_28 to %scan3A_30 step %scan3A_31  : i32 {
        %mul3A_34 = arith.constant 1 : i32
        %mul3A_35 = arith.muli %scan3A_33, %mul3A_34 : i32
        %add3A_36 = arith.constant 0 : i32
        %add3A_37 = arith.addi %add3A_36, %mul3A_35 : i32
        %mul3A_38 = arith.constant 16 : i32
        %mul3A_39 = arith.muli %add3A_37, %mul3A_38 : i32
        %swap3A = arith.index_cast %add3A_27 : i32 to index
        %swap3A_40 = arith.index_cast %mul3A_39 : i32 to index
        %swap3A_41 = tpu.vector_load %arg10[%swap3A, %swap3A_40] {strides = array<i32>} : memref<16x128xf32, #tpu.memory_space<vmem>>, vector<1x16xf32>,
        %swap3A_42 = vector.shape_cast %swap3A_41 : vector<1x16xf32> to vector<16xf32>
        %swap3A_43 = vector.shape_cast %broadcast_in_dim3A_1 : vector<16xf32> to vector<1x16xf32>
        tpu.vector_store %arg10[%swap3A, %swap3A_40], %swap3A_43 {strides = array<i32>} : memref<16x128xf32, #tpu.memory_space<vmem>>, vector<1x16xf32>,
      }
      %scan3A_32 = arith.constant 8 : i32
    }
    %scan3A_5 = arith.constant 16 : i32
    %scan3A_6 = arith.constant 0 : i32
    %scan3A_7 = arith.constant 39 : i32
    %scan3A_8 = arith.addi %scan3A_6, %scan3A_7 : i32
    %scan3A_9 = arith.constant 1 : i32
    scf.for %scan3A_23 = %scan3A_6 to %scan3A_8 step %scan3A_9  : i32 {
      %mul3A_24 = arith.constant 1 : i32
      %mul3A_25 = arith.muli %scan3A_23, %mul3A_24 : i32
      %add3A_26 = arith.constant 0 : i32
      %add3A_27 = arith.addi %add3A_26, %mul3A_25 : i32
      %mul3A_28 = arith.constant 632 : i32
      %mul3A_29 = arith.muli %arg1, %mul3A_28 : i32
      %mul3A_30 = arith.constant 16 : i32
      %mul3A_31 = arith.muli %add3A_27, %mul3A_30 : i32
      %add3A_32 = arith.addi %mul3A_29, %mul3A_31 : i32
      "tpu.region"() ({
        %run_scoped3A = tpu.sem_alloc : memref<!tpu.dma_semaphore, #tpu.memory_space<semaphore_mem>>
        %dma_start3A = arith.constant 0 : i32
        %dma_start3A_33 = tpu.memref_slice %arg11[%add3A_32, %dma_start3A] : memref<10112x128xf32, #tpu.memory_space<vmem_shared>> -> memref<16x128xf32, #tpu.memory_space<vmem_shared>>
        %dma_start3A_34 = arith.constant 0 : i32
        %dma_start3A_35 = tpu.memref_slice %arg11[%add3A_32, %dma_start3A_34] : memref<10112x128xf32, #tpu.memory_space<vmem_shared>> -> memref<16x128xf32, #tpu.memory_space<vmem_shared>>
        tpu.enqueue_dma source(%arg10 : memref<16x128xf32, #tpu.memory_space<vmem>>) target(%dma_start3A_35 : memref<16x128xf32, #tpu.memory_space<vmem_shared>>) target_semaphore(%run_scoped3A : memref<!tpu.dma_semaphore, #tpu.memory_space<semaphore_mem>>)
        %dma_wait3A = arith.constant 0 : i32
        %dma_wait3A_36 = tpu.memref_slice %arg11[%add3A_32, %dma_wait3A] : memref<10112x128xf32, #tpu.memory_space<vmem_shared>> -> memref<16x128xf32, #tpu.memory_space<vmem_shared>>
        %dma_wait3A_37 = arith.constant 0 : i32
        %dma_wait3A_38 = tpu.memref_slice %arg11[%add3A_32, %dma_wait3A_37] : memref<10112x128xf32, #tpu.memory_space<vmem_shared>> -> memref<16x128xf32, #tpu.memory_space<vmem_shared>>
        tpu.wait_dma2 semaphore(%run_scoped3A : memref<!tpu.dma_semaphore, #tpu.memory_space<semaphore_mem>>) src(%arg10 : memref<16x128xf32, #tpu.memory_space<vmem>>) dst(%dma_wait3A_38 : memref<16x128xf32, #tpu.memory_space<vmem_shared>>)
        tpu.yield
      }) : () -> ()
    }
    %scan3A_10 = arith.constant 39 : i32
    %mul3A_11 = arith.constant 632 : i32
    %mul3A_12 = arith.muli %arg1, %mul3A_11 : i32
    %add3A_13 = arith.constant 624 : i32
    %add3A_14 = arith.addi %mul3A_12, %add3A_13 : i32
    "tpu.region"() ({
      %run_scoped3A = tpu.sem_alloc : memref<!tpu.dma_semaphore, #tpu.memory_space<semaphore_mem>>
      %dma_start3A = arith.constant 0 : i32
      %dma_start3A_23 = arith.constant 0 : i32
      %dma_start3A_24 = tpu.memref_slice %arg10[%dma_start3A, %dma_start3A_23] : memref<16x128xf32, #tpu.memory_space<vmem>> -> memref<8x128xf32, #tpu.memory_space<vmem>>
      %dma_start3A_25 = arith.constant 0 : i32
      %dma_start3A_26 = tpu.memref_slice %arg11[%add3A_14, %dma_start3A_25] : memref<10112x128xf32, #tpu.memory_space<vmem_shared>> -> memref<8x128xf32, #tpu.memory_space<vmem_shared>>
      %dma_start3A_27 = arith.constant 0 : i32
      %dma_start3A_28 = tpu.memref_slice %arg11[%add3A_14, %dma_start3A_27] : memref<10112x128xf32, #tpu.memory_space<vmem_shared>> -> memref<8x128xf32, #tpu.memory_space<vmem_shared>>
      %dma_start3A_29 = arith.constant 0 : i32
      %dma_start3A_30 = arith.constant 0 : i32
      %dma_start3A_31 = tpu.memref_slice %arg10[%dma_start3A_29, %dma_start3A_30] : memref<16x128xf32, #tpu.memory_space<vmem>> -> memref<8x128xf32, #tpu.memory_space<vmem>>
      tpu.enqueue_dma source(%dma_start3A_31 : memref<8x128xf32, #tpu.memory_space<vmem>>) target(%dma_start3A_28 : memref<8x128xf32, #tpu.memory_space<vmem_shared>>) target_semaphore(%run_scoped3A : memref<!tpu.dma_semaphore, #tpu.memory_space<semaphore_mem>>)
      %dma_wait3A = arith.constant 0 : i32
      %dma_wait3A_32 = arith.constant 0 : i32
      %dma_wait3A_33 = tpu.memref_slice %arg10[%dma_wait3A, %dma_wait3A_32] : memref<16x128xf32, #tpu.memory_space<vmem>> -> memref<8x128xf32, #tpu.memory_space<vmem>>
      %dma_wait3A_34 = arith.constant 0 : i32
      %dma_wait3A_35 = tpu.memref_slice %arg11[%add3A_14, %dma_wait3A_34] : memref<10112x128xf32, #tpu.memory_space<vmem_shared>> -> memref<8x128xf32, #tpu.memory_space<vmem_shared>>
      %dma_wait3A_36 = arith.constant 0 : i32
      %dma_wait3A_37 = tpu.memref_slice %arg11[%add3A_14, %dma_wait3A_36] : memref<10112x128xf32, #tpu.memory_space<vmem_shared>> -> memref<8x128xf32, #tpu.memory_space<vmem_shared>>
      %dma_wait3A_38 = arith.constant 0 : i32
      %dma_wait3A_39 = arith.constant 0 : i32
      %dma_wait3A_40 = tpu.memref_slice %arg10[%dma_wait3A_38, %dma_wait3A_39] : memref<16x128xf32, #tpu.memory_space<vmem>> -> memref<8x128xf32, #tpu.memory_space<vmem>>
      tpu.wait_dma2 semaphore(%run_scoped3A : memref<!tpu.dma_semaphore, #tpu.memory_space<semaphore_mem>>) src(%dma_wait3A_40 : memref<8x128xf32, #tpu.memory_space<vmem>>) dst(%dma_wait3A_37 : memref<8x128xf32, #tpu.memory_space<vmem_shared>>)
      tpu.yield
    }) : () -> ()
    %barrier3A = arith.constant 0 : index
    tpu.barrier barrier_id(%barrier3A)
    %scan3A_15 = arith.constant 0 : i32
    %scan3A_16 = arith.constant 2 : i32
    %scan3A_17 = arith.addi %scan3A_15, %scan3A_16 : i32
    %scan3A_18 = arith.constant 1 : i32
    scf.for %scan3A_23 = %scan3A_15 to %scan3A_17 step %scan3A_18  : i32 {
      %mul3A_24 = arith.constant 1 : i32
      %mul3A_25 = arith.muli %scan3A_23, %mul3A_24 : i32
      %add3A_26 = arith.constant 0 : i32
      %add3A_27 = arith.addi %add3A_26, %mul3A_25 : i32
      %mul3A_28 = arith.constant 80 : i32
      %mul3A_29 = arith.muli %add3A, %mul3A_28 : i32
      %mul3A_30 = arith.constant 40 : i32
      %mul3A_31 = arith.muli %add3A_27, %mul3A_30 : i32
      %add3A_32 = arith.addi %mul3A_29, %mul3A_31 : i32
      "tpu.region"() ({
        %run_scoped3A = tpu.sem_alloc : memref<!tpu.dma_semaphore, #tpu.memory_space<semaphore_mem>>
        %dma_start3A_44 = arith.constant 0 : i32
        %dma_start3A_45 = tpu.memref_slice %arg3[%add3A_32, %dma_start3A_44] : memref<2560x128xi32, #tpu.memory_space<hbm>> -> memref<40x128xi32, #tpu.memory_space<hbm>>
        %dma_start3A_46 = arith.constant 0 : i32
        %dma_start3A_47 = tpu.memref_slice %arg3[%add3A_32, %dma_start3A_46] : memref<2560x128xi32, #tpu.memory_space<hbm>> -> memref<40x128xi32, #tpu.memory_space<hbm>>
        tpu.enqueue_dma source(%dma_start3A_47 : memref<40x128xi32, #tpu.memory_space<hbm>>) target(%arg6 : memref<40x128xi32, #tpu.memory_space<vmem>>) target_semaphore(%run_scoped3A : memref<!tpu.dma_semaphore, #tpu.memory_space<semaphore_mem>>)
        %dma_wait3A = arith.constant 0 : i32
        %dma_wait3A_48 = tpu.memref_slice %arg3[%add3A_32, %dma_wait3A] : memref<2560x128xi32, #tpu.memory_space<hbm>> -> memref<40x128xi32, #tpu.memory_space<hbm>>
        %dma_wait3A_49 = arith.constant 0 : i32
        %dma_wait3A_50 = tpu.memref_slice %arg3[%add3A_32, %dma_wait3A_49] : memref<2560x128xi32, #tpu.memory_space<hbm>> -> memref<40x128xi32, #tpu.memory_space<hbm>>
        tpu.wait_dma2 semaphore(%run_scoped3A : memref<!tpu.dma_semaphore, #tpu.memory_space<semaphore_mem>>) src(%dma_wait3A_50 : memref<40x128xi32, #tpu.memory_space<hbm>>) dst(%arg6 : memref<40x128xi32, #tpu.memory_space<vmem>>)
        tpu.yield
      }) : () -> ()
      "tpu.region"() ({
        %run_scoped3A = tpu.sem_alloc : memref<!tpu.dma_semaphore, #tpu.memory_space<semaphore_mem>>
        %dma_start3A_44 = arith.constant 0 : i32
        %dma_start3A_45 = tpu.memref_slice %arg4[%add3A_32, %dma_start3A_44] : memref<2560x128xi32, #tpu.memory_space<hbm>> -> memref<40x128xi32, #tpu.memory_space<hbm>>
        %dma_start3A_46 = arith.constant 0 : i32
        %dma_start3A_47 = tpu.memref_slice %arg4[%add3A_32, %dma_start3A_46] : memref<2560x128xi32, #tpu.memory_space<hbm>> -> memref<40x128xi32, #tpu.memory_space<hbm>>
        tpu.enqueue_dma source(%dma_start3A_47 : memref<40x128xi32, #tpu.memory_space<hbm>>) target(%arg7 : memref<40x128xi32, #tpu.memory_space<vmem>>) target_semaphore(%run_scoped3A : memref<!tpu.dma_semaphore, #tpu.memory_space<semaphore_mem>>)
        %dma_wait3A = arith.constant 0 : i32
        %dma_wait3A_48 = tpu.memref_slice %arg4[%add3A_32, %dma_wait3A] : memref<2560x128xi32, #tpu.memory_space<hbm>> -> memref<40x128xi32, #tpu.memory_space<hbm>>
        %dma_wait3A_49 = arith.constant 0 : i32
        %dma_wait3A_50 = tpu.memref_slice %arg4[%add3A_32, %dma_wait3A_49] : memref<2560x128xi32, #tpu.memory_space<hbm>> -> memref<40x128xi32, #tpu.memory_space<hbm>>
        tpu.wait_dma2 semaphore(%run_scoped3A : memref<!tpu.dma_semaphore, #tpu.memory_space<semaphore_mem>>) src(%dma_wait3A_50 : memref<40x128xi32, #tpu.memory_space<hbm>>) dst(%arg7 : memref<40x128xi32, #tpu.memory_space<vmem>>)
        tpu.yield
      }) : () -> ()
      %dma_start3A = arith.constant 0 : i32
      %dma_start3A_33 = arith.constant 0 : i32
      %dma_start3A_34 = tpu.memref_slice %arg6[%dma_start3A, %dma_start3A_33] : memref<40x128xi32, #tpu.memory_space<vmem>> -> memref<1x128xi32, #tpu.memory_space<vmem>>
      %dma_start3A_35 = tpu.memref_squeeze %dma_start3A_34 : memref<1x128xi32, #tpu.memory_space<vmem>> -> memref<128xi32, #tpu.memory_space<vmem>>
      %dma_start3A_36 = arith.constant 0 : i32
      %dma_start3A_37 = arith.constant 0 : i32
      %dma_start3A_38 = tpu.memref_slice %arg2[%dma_start3A_36, %dma_start3A_37] : memref<10000x128xf32, #tpu.memory_space<hbm>> -> memref<10000x128xf32, #tpu.memory_space<hbm>>
      tpu.enqueue_indirect_dma source(%dma_start3A_38 : memref<10000x128xf32, #tpu.memory_space<hbm>>) target(%arg8 : memref<128x128xf32, #tpu.memory_space<vmem>>) offsets(%dma_start3A_35 : memref<128xi32, #tpu.memory_space<vmem>>) semaphore(%arg12 : memref<!tpu.dma_semaphore, #tpu.memory_space<semaphore_mem>>)
      %scan3A_39 = arith.constant 0 : i32
      %scan3A_40 = arith.constant 20 : i32
      %scan3A_41 = arith.addi %scan3A_39, %scan3A_40 : i32
      %scan3A_42 = arith.constant 1 : i32
      scf.for %scan3A_44 = %scan3A_39 to %scan3A_41 step %scan3A_42  : i32 {
        %mul3A_45 = arith.constant 2 : i32
        %mul3A_46 = arith.muli %scan3A_44, %mul3A_45 : i32
        %add3A_47 = arith.constant 0 : i32
        %add3A_48 = arith.addi %add3A_47, %mul3A_46 : i32
        %dma_wait3A = arith.constant 0 : i32
        %dma_wait3A_49 = tpu.memref_slice %arg6[%add3A_48, %dma_wait3A] : memref<40x128xi32, #tpu.memory_space<vmem>> -> memref<1x128xi32, #tpu.memory_space<vmem>>
        %dma_wait3A_50 = tpu.memref_squeeze %dma_wait3A_49 : memref<1x128xi32, #tpu.memory_space<vmem>> -> memref<128xi32, #tpu.memory_space<vmem>>
        %dma_wait3A_51 = arith.constant 0 : i32
        %dma_wait3A_52 = arith.constant 0 : i32
        %dma_wait3A_53 = tpu.memref_slice %arg2[%dma_wait3A_51, %dma_wait3A_52] : memref<10000x128xf32, #tpu.memory_space<hbm>> -> memref<10000x128xf32, #tpu.memory_space<hbm>>
        tpu.wait_indirect_dma semaphore(%arg12 : memref<!tpu.dma_semaphore, #tpu.memory_space<semaphore_mem>>) src(%dma_wait3A_53 : memref<10000x128xf32, #tpu.memory_space<hbm>>) dst(%arg8 : memref<128x128xf32, #tpu.memory_space<vmem>>)
        %add3A_54 = arith.constant 1 : i32
        %add3A_55 = arith.addi %add3A_48, %add3A_54 : i32
        %dma_start3A_56 = arith.constant 0 : i32
        %dma_start3A_57 = tpu.memref_slice %arg6[%add3A_55, %dma_start3A_56] : memref<40x128xi32, #tpu.memory_space<vmem>> -> memref<1x128xi32, #tpu.memory_space<vmem>>
        %dma_start3A_58 = tpu.memref_squeeze %dma_start3A_57 : memref<1x128xi32, #tpu.memory_space<vmem>> -> memref<128xi32, #tpu.memory_space<vmem>>
        %dma_start3A_59 = arith.constant 0 : i32
        %dma_start3A_60 = arith.constant 0 : i32
        %dma_start3A_61 = tpu.memref_slice %arg2[%dma_start3A_59, %dma_start3A_60] : memref<10000x128xf32, #tpu.memory_space<hbm>> -> memref<10000x128xf32, #tpu.memory_space<hbm>>
        tpu.enqueue_indirect_dma source(%dma_start3A_61 : memref<10000x128xf32, #tpu.memory_space<hbm>>) target(%arg9 : memref<128x128xf32, #tpu.memory_space<vmem>>) offsets(%dma_start3A_58 : memref<128xi32, #tpu.memory_space<vmem>>) semaphore(%arg13 : memref<!tpu.dma_semaphore, #tpu.memory_space<semaphore_mem>>)
        "tpu.region"() ({
          %run_scoped3A = tpu.sem_alloc : memref<!tpu.dma_semaphore, #tpu.memory_space<semaphore_mem>>
          %dma_start3A_76 = arith.constant 0 : i32
          %dma_start3A_77 = tpu.memref_slice %arg7[%add3A_48, %dma_start3A_76] : memref<40x128xi32, #tpu.memory_space<vmem>> -> memref<1x128xi32, #tpu.memory_space<vmem>>
          %dma_start3A_78 = tpu.memref_squeeze %dma_start3A_77 : memref<1x128xi32, #tpu.memory_space<vmem>> -> memref<128xi32, #tpu.memory_space<vmem>>
          %dma_start3A_79 = arith.constant 0 : i32
          %dma_start3A_80 = arith.constant 0 : i32
          %dma_start3A_81 = tpu.memref_slice %arg11[%dma_start3A_79, %dma_start3A_80] : memref<10112x128xf32, #tpu.memory_space<vmem_shared>> -> memref<10112x128xf32, #tpu.memory_space<vmem_shared>>
          tpu.enqueue_indirect_dma source(%arg8 : memref<128x128xf32, #tpu.memory_space<vmem>>) target(%dma_start3A_81 : memref<10112x128xf32, #tpu.memory_space<vmem_shared>>) offsets(%dma_start3A_78 : memref<128xi32, #tpu.memory_space<vmem>>) semaphore(%run_scoped3A : memref<!tpu.dma_semaphore, #tpu.memory_space<semaphore_mem>>) {add = true}
          %dma_wait3A_82 = arith.constant 0 : i32
          %dma_wait3A_83 = tpu.memref_slice %arg7[%add3A_48, %dma_wait3A_82] : memref<40x128xi32, #tpu.memory_space<vmem>> -> memref<1x128xi32, #tpu.memory_space<vmem>>
          %dma_wait3A_84 = tpu.memref_squeeze %dma_wait3A_83 : memref<1x128xi32, #tpu.memory_space<vmem>> -> memref<128xi32, #tpu.memory_space<vmem>>
          %dma_wait3A_85 = arith.constant 0 : i32
          %dma_wait3A_86 = arith.constant 0 : i32
          %dma_wait3A_87 = tpu.memref_slice %arg11[%dma_wait3A_85, %dma_wait3A_86] : memref<10112x128xf32, #tpu.memory_space<vmem_shared>> -> memref<10112x128xf32, #tpu.memory_space<vmem_shared>>
          tpu.wait_indirect_dma semaphore(%run_scoped3A : memref<!tpu.dma_semaphore, #tpu.memory_space<semaphore_mem>>) src(%arg8 : memref<128x128xf32, #tpu.memory_space<vmem>>) dst(%dma_wait3A_87 : memref<10112x128xf32, #tpu.memory_space<vmem_shared>>)
          tpu.yield
        }) : () -> ()
        %add3A_62 = arith.constant 1 : i32
        %add3A_63 = arith.addi %add3A_48, %add3A_62 : i32
        %dma_wait3A_64 = arith.constant 0 : i32
        %dma_wait3A_65 = tpu.memref_slice %arg6[%add3A_63, %dma_wait3A_64] : memref<40x128xi32, #tpu.memory_space<vmem>> -> memref<1x128xi32, #tpu.memory_space<vmem>>
        %dma_wait3A_66 = tpu.memref_squeeze %dma_wait3A_65 : memref<1x128xi32, #tpu.memory_space<vmem>> -> memref<128xi32, #tpu.memory_space<vmem>>
        %dma_wait3A_67 = arith.constant 0 : i32
        %dma_wait3A_68 = arith.constant 0 : i32
        %dma_wait3A_69 = tpu.memref_slice %arg2[%dma_wait3A_67, %dma_wait3A_68] : memref<10000x128xf32, #tpu.memory_space<hbm>> -> memref<10000x128xf32, #tpu.memory_space<hbm>>
        tpu.wait_indirect_dma semaphore(%arg13 : memref<!tpu.dma_semaphore, #tpu.memory_space<semaphore_mem>>) src(%dma_wait3A_69 : memref<10000x128xf32, #tpu.memory_space<hbm>>) dst(%arg9 : memref<128x128xf32, #tpu.memory_space<vmem>>)
        %add3A_70 = arith.constant 2 : i32
        %add3A_71 = arith.addi %add3A_48, %add3A_70 : i32
        %lt3A = arith.constant 40 : i32
        %lt3A_72 = arith.cmpi slt, %add3A_71, %lt3A : i32
        %convert_element_type3A = arith.extui %lt3A_72 : i1 to i32
        %cond3A = arith.constant 0 : i32
        %cond3A_73 = arith.cmpi ne, %convert_element_type3A, %cond3A : i32
        scf.if %cond3A_73 {
          %add3A_76 = arith.constant 2 : i32
          %add3A_77 = arith.addi %add3A_48, %add3A_76 : i32
          %dma_start3A_78 = arith.constant 0 : i32
          %dma_start3A_79 = tpu.memref_slice %arg6[%add3A_77, %dma_start3A_78] : memref<40x128xi32, #tpu.memory_space<vmem>> -> memref<1x128xi32, #tpu.memory_space<vmem>>
          %dma_start3A_80 = tpu.memref_squeeze %dma_start3A_79 : memref<1x128xi32, #tpu.memory_space<vmem>> -> memref<128xi32, #tpu.memory_space<vmem>>
          %dma_start3A_81 = arith.constant 0 : i32
          %dma_start3A_82 = arith.constant 0 : i32
          %dma_start3A_83 = tpu.memref_slice %arg2[%dma_start3A_81, %dma_start3A_82] : memref<10000x128xf32, #tpu.memory_space<hbm>> -> memref<10000x128xf32, #tpu.memory_space<hbm>>
          tpu.enqueue_indirect_dma source(%dma_start3A_83 : memref<10000x128xf32, #tpu.memory_space<hbm>>) target(%arg8 : memref<128x128xf32, #tpu.memory_space<vmem>>) offsets(%dma_start3A_80 : memref<128xi32, #tpu.memory_space<vmem>>) semaphore(%arg12 : memref<!tpu.dma_semaphore, #tpu.memory_space<semaphore_mem>>)
        } else {
        }
        %add3A_74 = arith.constant 1 : i32
        %add3A_75 = arith.addi %add3A_48, %add3A_74 : i32
        "tpu.region"() ({
          %run_scoped3A = tpu.sem_alloc : memref<!tpu.dma_semaphore, #tpu.memory_space<semaphore_mem>>
          %dma_start3A_76 = arith.constant 0 : i32
          %dma_start3A_77 = tpu.memref_slice %arg7[%add3A_75, %dma_start3A_76] : memref<40x128xi32, #tpu.memory_space<vmem>> -> memref<1x128xi32, #tpu.memory_space<vmem>>
          %dma_start3A_78 = tpu.memref_squeeze %dma_start3A_77 : memref<1x128xi32, #tpu.memory_space<vmem>> -> memref<128xi32, #tpu.memory_space<vmem>>
          %dma_start3A_79 = arith.constant 0 : i32
          %dma_start3A_80 = arith.constant 0 : i32
          %dma_start3A_81 = tpu.memref_slice %arg11[%dma_start3A_79, %dma_start3A_80] : memref<10112x128xf32, #tpu.memory_space<vmem_shared>> -> memref<10112x128xf32, #tpu.memory_space<vmem_shared>>
          tpu.enqueue_indirect_dma source(%arg9 : memref<128x128xf32, #tpu.memory_space<vmem>>) target(%dma_start3A_81 : memref<10112x128xf32, #tpu.memory_space<vmem_shared>>) offsets(%dma_start3A_78 : memref<128xi32, #tpu.memory_space<vmem>>) semaphore(%run_scoped3A : memref<!tpu.dma_semaphore, #tpu.memory_space<semaphore_mem>>) {add = true}
          %dma_wait3A_82 = arith.constant 0 : i32
          %dma_wait3A_83 = tpu.memref_slice %arg7[%add3A_75, %dma_wait3A_82] : memref<40x128xi32, #tpu.memory_space<vmem>> -> memref<1x128xi32, #tpu.memory_space<vmem>>
          %dma_wait3A_84 = tpu.memref_squeeze %dma_wait3A_83 : memref<1x128xi32, #tpu.memory_space<vmem>> -> memref<128xi32, #tpu.memory_space<vmem>>
          %dma_wait3A_85 = arith.constant 0 : i32
          %dma_wait3A_86 = arith.constant 0 : i32
          %dma_wait3A_87 = tpu.memref_slice %arg11[%dma_wait3A_85, %dma_wait3A_86] : memref<10112x128xf32, #tpu.memory_space<vmem_shared>> -> memref<10112x128xf32, #tpu.memory_space<vmem_shared>>
          tpu.wait_indirect_dma semaphore(%run_scoped3A : memref<!tpu.dma_semaphore, #tpu.memory_space<semaphore_mem>>) src(%arg9 : memref<128x128xf32, #tpu.memory_space<vmem>>) dst(%dma_wait3A_87 : memref<10112x128xf32, #tpu.memory_space<vmem_shared>>)
          tpu.yield
        }) : () -> ()
      }
      %scan3A_43 = arith.constant 20 : i32
    }
    %scan3A_19 = arith.constant 2 : i32
    %barrier3A_20 = arith.constant 0 : index
    tpu.barrier barrier_id(%barrier3A_20)
    %mul3A_21 = arith.constant 632 : i32
    %mul3A_22 = arith.muli %arg1, %mul3A_21 : i32
    "tpu.region"() ({
      %run_scoped3A = tpu.sem_alloc : memref<!tpu.dma_semaphore, #tpu.memory_space<semaphore_mem>>
      %dma_start3A = arith.constant 0 : i32
      %dma_start3A_23 = tpu.memref_slice %arg5[%arg0, %mul3A_22, %dma_start3A] : memref<2x10112x128xf32, #tpu.memory_space<hbm>> -> memref<1x632x128xf32, #tpu.memory_space<hbm>>
      %dma_start3A_24 = tpu.memref_squeeze %dma_start3A_23 : memref<1x632x128xf32, #tpu.memory_space<hbm>> -> memref<632x128xf32, #tpu.memory_space<hbm>>
      %dma_start3A_25 = arith.constant 0 : i32
      %dma_start3A_26 = tpu.memref_slice %arg11[%mul3A_22, %dma_start3A_25] : memref<10112x128xf32, #tpu.memory_space<vmem_shared>> -> memref<632x128xf32, #tpu.memory_space<vmem_shared>>
      tpu.enqueue_dma source(%dma_start3A_26 : memref<632x128xf32, #tpu.memory_space<vmem_shared>>) target(%dma_start3A_24 : memref<632x128xf32, #tpu.memory_space<hbm>>) target_semaphore(%run_scoped3A : memref<!tpu.dma_semaphore, #tpu.memory_space<semaphore_mem>>)
      %dma_wait3A = arith.constant 0 : i32
      %dma_wait3A_27 = tpu.memref_slice %arg5[%arg0, %mul3A_22, %dma_wait3A] : memref<2x10112x128xf32, #tpu.memory_space<hbm>> -> memref<1x632x128xf32, #tpu.memory_space<hbm>>
      %dma_wait3A_28 = tpu.memref_squeeze %dma_wait3A_27 : memref<1x632x128xf32, #tpu.memory_space<hbm>> -> memref<632x128xf32, #tpu.memory_space<hbm>>
      %dma_wait3A_29 = arith.constant 0 : i32
      %dma_wait3A_30 = tpu.memref_slice %arg11[%mul3A_22, %dma_wait3A_29] : memref<10112x128xf32, #tpu.memory_space<vmem_shared>> -> memref<632x128xf32, #tpu.memory_space<vmem_shared>>
      tpu.wait_dma2 semaphore(%run_scoped3A : memref<!tpu.dma_semaphore, #tpu.memory_space<semaphore_mem>>) src(%dma_wait3A_30 : memref<632x128xf32, #tpu.memory_space<vmem_shared>>) dst(%dma_wait3A_28 : memref<632x128xf32, #tpu.memory_space<hbm>>)
      tpu.yield
    }) : () -> ()
    return
  }
}

module attributes {stable_mosaic.version = 14 : i64} {
  func.func @body(%arg0: i32, %arg1: memref<1000x128xf32, #tpu.memory_space<vmem>>, %arg2: memref<2x1000x128xf32, #tpu.memory_space<vmem>>, %arg3: memref<2x1000x128xf32, #tpu.memory_space<vmem>>, %arg4: memref<128x256xf32, #tpu.memory_space<vmem>>, %arg5: memref<256xf32, #tpu.memory_space<vmem>>, %arg6: memref<128x256xf32, #tpu.memory_space<vmem>>, %arg7: memref<256xf32, #tpu.memory_space<vmem>>, %arg8: memref<512x256xf32, #tpu.memory_space<vmem>>, %arg9: memref<512x256xf32, #tpu.memory_space<vmem>>, %arg10: memref<1000x256xf32, #tpu.memory_space<vmem>>, %arg11: memref<2x1000x128xf32, #tpu.memory_space<vmem>>) attributes {dimension_semantics = [#tpu.dimension_semantics<arbitrary>], iteration_bounds = array<i64: 10>, scalar_prefetch = 0 : i64, scratch_operands = 0 : i64, tpu.core_type = #tpu.core_type<tc>, window_params = [{transform_indices = @transform_0, window_bounds = array<i64: 1000, 128>}, {transform_indices = @transform_1, window_bounds = array<i64: 2, 1000, 128>}, {transform_indices = @transform_2, window_bounds = array<i64: 2, 1000, 128>}, {pipeline_mode = #tpu.pipeline_mode<synchronous>, transform_indices = @transform_3, window_bounds = array<i64: 128, 256>}, {pipeline_mode = #tpu.pipeline_mode<synchronous>, transform_indices = @transform_4, window_bounds = array<i64: 256>}, {pipeline_mode = #tpu.pipeline_mode<synchronous>, transform_indices = @transform_5, window_bounds = array<i64: 128, 256>}, {pipeline_mode = #tpu.pipeline_mode<synchronous>, transform_indices = @transform_6, window_bounds = array<i64: 256>}, {pipeline_mode = #tpu.pipeline_mode<synchronous>, transform_indices = @transform_7, window_bounds = array<i64: 512, 256>}, {pipeline_mode = #tpu.pipeline_mode<synchronous>, transform_indices = @transform_8, window_bounds = array<i64: 512, 256>}, {transform_indices = @transform_9, window_bounds = array<i64: 1000, 256>}, {transform_indices = @transform_10, window_bounds = array<i64: 2, 1000, 128>}]} {
    %get3A = arith.constant 0 : index
    %get3A_0 = arith.constant 0 : index
    %get3A_1 = arith.constant 0 : index
    %get3A_2 = vector.load %arg3[%get3A, %get3A_0, %get3A_1] : memref<2x1000x128xf32, #tpu.memory_space<vmem>>, vector<1x1000x1xf32>
    %get3A_3 = vector.shape_cast %get3A_2 : vector<1x1000x1xf32> to vector<1000x1xf32>
    %get3A_4 = arith.constant 1 : index
    %get3A_5 = arith.constant 0 : index
    %get3A_6 = arith.constant 0 : index
    %get3A_7 = vector.load %arg3[%get3A_4, %get3A_5, %get3A_6] : memref<2x1000x128xf32, #tpu.memory_space<vmem>>, vector<1x1000x1xf32>
    %get3A_8 = vector.shape_cast %get3A_7 : vector<1x1000x1xf32> to vector<1000x1xf32>
    %add3A = arith.addf %get3A_3, %get3A_8 : vector<1000x1xf32>
    %max3A = arith.constant 1.000000e+00 : f32
    %max3A_9 = vector.broadcast %max3A : f32 to vector<1000x1xf32>
    %max3A_10 = arith.maximumf %add3A, %max3A_9 : vector<1000x1xf32>
    %div3A = arith.constant 1.000000e+00 : f32
    %div3A_11 = vector.broadcast %div3A : f32 to vector<1000x1xf32>
    %div3A_12 = arith.divf %div3A_11, %max3A_10 : vector<1000x1xf32>
    %get3A_13 = arith.constant 0 : index
    %get3A_14 = arith.constant 0 : index
    %get3A_15 = arith.constant 0 : index
    %get3A_16 = vector.load %arg2[%get3A_13, %get3A_14, %get3A_15] : memref<2x1000x128xf32, #tpu.memory_space<vmem>>, vector<1x1000x128xf32>
    %get3A_17 = vector.shape_cast %get3A_16 : vector<1x1000x128xf32> to vector<1000x128xf32>
    %get3A_18 = arith.constant 1 : index
    %get3A_19 = arith.constant 0 : index
    %get3A_20 = arith.constant 0 : index
    %get3A_21 = vector.load %arg2[%get3A_18, %get3A_19, %get3A_20] : memref<2x1000x128xf32, #tpu.memory_space<vmem>>, vector<1x1000x128xf32>
    %get3A_22 = vector.shape_cast %get3A_21 : vector<1x1000x128xf32> to vector<1000x128xf32>
    %add3A_23 = arith.addf %get3A_17, %get3A_22 : vector<1000x128xf32>
    %mul3A = vector.broadcast %div3A_12 : vector<1000x1xf32> to vector<1000x128xf32>
    %mul3A_24 = arith.mulf %add3A_23, %mul3A : vector<1000x128xf32>
    %get3A_25 = arith.constant 0 : index
    %get3A_26 = arith.constant 0 : index
    %get3A_27 = vector.load %arg1[%get3A_25, %get3A_26] : memref<1000x128xf32, #tpu.memory_space<vmem>>, vector<1000x128xf32>
    %get3A_28 = arith.constant 0 : index
    %get3A_29 = arith.constant 0 : index
    %get3A_30 = vector.load %arg4[%get3A_28, %get3A_29] : memref<128x256xf32, #tpu.memory_space<vmem>>, vector<128x256xf32>
    %dot_general3A = arith.constant dense<0.000000e+00> : vector<1000x256xf32>
    %dot_general3A_31 = tpu.matmul %get3A_27, %get3A_30, %dot_general3A {dimension_numbers = #tpu.dot_dimension_numbers<[1], [0], [0], [1], [0, 0, 1, 1], [], []>, transpose_lhs_hint = false} : vector<1000x128xf32>, vector<128x256xf32>, vector<1000x256xf32> -> vector<1000x256xf32>
    %get3A_32 = arith.constant 0 : index
    %get3A_33 = vector.load %arg5[%get3A_32] : memref<256xf32, #tpu.memory_space<vmem>>, vector<256xf32>
    %broadcast_in_dim3A = vector.shape_cast %get3A_33 : vector<256xf32> to vector<1x256xf32>
    %add3A_34 = vector.broadcast %broadcast_in_dim3A : vector<1x256xf32> to vector<1000x256xf32>
    %add3A_35 = arith.addf %dot_general3A_31, %add3A_34 : vector<1000x256xf32>
    %get3A_36 = arith.constant 0 : index
    %get3A_37 = arith.constant 0 : index
    %get3A_38 = vector.load %arg6[%get3A_36, %get3A_37] : memref<128x256xf32, #tpu.memory_space<vmem>>, vector<128x256xf32>
    %dot_general3A_39 = arith.constant dense<0.000000e+00> : vector<1000x256xf32>
    %dot_general3A_40 = tpu.matmul %mul3A_24, %get3A_38, %dot_general3A_39 {dimension_numbers = #tpu.dot_dimension_numbers<[1], [0], [0], [1], [0, 0, 1, 1], [], []>, transpose_lhs_hint = false} : vector<1000x128xf32>, vector<128x256xf32>, vector<1000x256xf32> -> vector<1000x256xf32>
    %get3A_41 = arith.constant 0 : index
    %get3A_42 = vector.load %arg7[%get3A_41] : memref<256xf32, #tpu.memory_space<vmem>>, vector<256xf32>
    %broadcast_in_dim3A_43 = vector.shape_cast %get3A_42 : vector<256xf32> to vector<1x256xf32>
    %add3A_44 = vector.broadcast %broadcast_in_dim3A_43 : vector<1x256xf32> to vector<1000x256xf32>
    %add3A_45 = arith.addf %dot_general3A_40, %add3A_44 : vector<1000x256xf32>
    %concatenate3A = tpu.concatenate %add3A_35, %add3A_45 in 1 : vector<1000x256xf32>, vector<1000x256xf32> -> vector<1000x512xf32>
    %max3A_46 = arith.constant 0.000000e+00 : f32
    %max3A_47 = vector.broadcast %max3A_46 : f32 to vector<1000x512xf32>
    %max3A_48 = arith.maximumf %concatenate3A, %max3A_47 : vector<1000x512xf32>
    %get3A_49 = arith.constant 0 : index
    %get3A_50 = arith.constant 0 : index
    %get3A_51 = vector.load %arg8[%get3A_49, %get3A_50] : memref<512x256xf32, #tpu.memory_space<vmem>>, vector<512x256xf32>
    %dot_general3A_52 = arith.constant dense<0.000000e+00> : vector<1000x256xf32>
    %dot_general3A_53 = tpu.matmul %max3A_48, %get3A_51, %dot_general3A_52 {dimension_numbers = #tpu.dot_dimension_numbers<[1], [0], [0], [1], [0, 0, 1, 1], [], []>, transpose_lhs_hint = false} : vector<1000x512xf32>, vector<512x256xf32>, vector<1000x256xf32> -> vector<1000x256xf32>
    %swap3A = arith.constant 0 : index
    %swap3A_54 = arith.constant 0 : index
    %swap3A_55 = vector.load %arg10[%swap3A, %swap3A_54] : memref<1000x256xf32, #tpu.memory_space<vmem>>, vector<1000x256xf32>
    tpu.vector_store %arg10[%swap3A, %swap3A_54], %dot_general3A_53 {strides = array<i32>} : memref<1000x256xf32, #tpu.memory_space<vmem>>, vector<1000x256xf32>,
    %get3A_56 = arith.constant 0 : index
    %get3A_57 = arith.constant 0 : index
    %get3A_58 = vector.load %arg9[%get3A_56, %get3A_57] : memref<512x256xf32, #tpu.memory_space<vmem>>, vector<512x256xf32>
    %dot_general3A_59 = arith.constant dense<0.000000e+00> : vector<1000x256xf32>
    %dot_general3A_60 = tpu.matmul %max3A_48, %get3A_58, %dot_general3A_59 {dimension_numbers = #tpu.dot_dimension_numbers<[1], [0], [0], [1], [0, 0, 1, 1], [], []>, transpose_lhs_hint = false} : vector<1000x512xf32>, vector<512x256xf32>, vector<1000x256xf32> -> vector<1000x256xf32>
    %slice3A = vector.extract_strided_slice %dot_general3A_60 {offsets = [0, 0], sizes = [1000, 128], strides = [1, 1]} : vector<1000x256xf32> to vector<1000x128xf32>
    %swap3A_61 = arith.constant 0 : index
    %swap3A_62 = arith.constant 0 : index
    %swap3A_63 = arith.constant 0 : index
    %swap3A_64 = vector.load %arg11[%swap3A_61, %swap3A_62, %swap3A_63] : memref<2x1000x128xf32, #tpu.memory_space<vmem>>, vector<1x1000x128xf32>
    %swap3A_65 = vector.shape_cast %swap3A_64 : vector<1x1000x128xf32> to vector<1000x128xf32>
    %swap3A_66 = vector.shape_cast %slice3A : vector<1000x128xf32> to vector<1x1000x128xf32>
    tpu.vector_store %arg11[%swap3A_61, %swap3A_62, %swap3A_63], %swap3A_66 {strides = array<i32>} : memref<2x1000x128xf32, #tpu.memory_space<vmem>>, vector<1x1000x128xf32>,
    %slice3A_67 = vector.extract_strided_slice %dot_general3A_60 {offsets = [0, 128], sizes = [1000, 128], strides = [1, 1]} : vector<1000x256xf32> to vector<1000x128xf32>
    %swap3A_68 = arith.constant 1 : index
    %swap3A_69 = arith.constant 0 : index
    %swap3A_70 = arith.constant 0 : index
    %swap3A_71 = vector.load %arg11[%swap3A_68, %swap3A_69, %swap3A_70] : memref<2x1000x128xf32, #tpu.memory_space<vmem>>, vector<1x1000x128xf32>
    %swap3A_72 = vector.shape_cast %swap3A_71 : vector<1x1000x128xf32> to vector<1000x128xf32>
    %swap3A_73 = vector.shape_cast %slice3A_67 : vector<1000x128xf32> to vector<1x1000x128xf32>
    tpu.vector_store %arg11[%swap3A_68, %swap3A_69, %swap3A_70], %swap3A_73 {strides = array<i32>} : memref<2x1000x128xf32, #tpu.memory_space<vmem>>, vector<1x1000x128xf32>,
    return
  }
  func.func @transform_0(%arg0: i32) -> (i32, i32) {
    %c0_i32 = arith.constant 0 : i32
    %c0_i32_0 = arith.constant 0 : i32
    return %arg0, %c0_i32 : i32, i32
  }
  func.func @transform_1(%arg0: i32) -> (i32, i32, i32) {
    %c0_i32 = arith.constant 0 : i32
    %c0_i32_0 = arith.constant 0 : i32
    %c0_i32_1 = arith.constant 0 : i32
    return %c0_i32, %arg0, %c0_i32_0 : i32, i32, i32
  }
  func.func @transform_2(%arg0: i32) -> (i32, i32, i32) {
    %c0_i32 = arith.constant 0 : i32
    %c0_i32_0 = arith.constant 0 : i32
    %c0_i32_1 = arith.constant 0 : i32
    return %c0_i32, %arg0, %c0_i32_0 : i32, i32, i32
  }
  func.func @transform_3(%arg0: i32) -> (i32, i32) {
    %c0_i32 = arith.constant 0 : i32
    %c0_i32_0 = arith.constant 0 : i32
    %c0_i32_1 = arith.constant 0 : i32
    return %c0_i32, %c0_i32_0 : i32, i32
  }
  func.func @transform_4(%arg0: i32) -> i32 {
    %c0_i32 = arith.constant 0 : i32
    %c0_i32_0 = arith.constant 0 : i32
    return %c0_i32 : i32
  }
  func.func @transform_5(%arg0: i32) -> (i32, i32) {
    %c0_i32 = arith.constant 0 : i32
    %c0_i32_0 = arith.constant 0 : i32
    %c0_i32_1 = arith.constant 0 : i32
    return %c0_i32, %c0_i32_0 : i32, i32
  }
  func.func @transform_6(%arg0: i32) -> i32 {
    %c0_i32 = arith.constant 0 : i32
    %c0_i32_0 = arith.constant 0 : i32
    return %c0_i32 : i32
  }
  func.func @transform_7(%arg0: i32) -> (i32, i32) {
    %c0_i32 = arith.constant 0 : i32
    %c0_i32_0 = arith.constant 0 : i32
    %c0_i32_1 = arith.constant 0 : i32
    return %c0_i32, %c0_i32_0 : i32, i32
  }
  func.func @transform_8(%arg0: i32) -> (i32, i32) {
    %c0_i32 = arith.constant 0 : i32
    %c0_i32_0 = arith.constant 0 : i32
    %c0_i32_1 = arith.constant 0 : i32
    return %c0_i32, %c0_i32_0 : i32, i32
  }
  func.func @transform_9(%arg0: i32) -> (i32, i32) {
    %c0_i32 = arith.constant 0 : i32
    %c0_i32_0 = arith.constant 0 : i32
    return %arg0, %c0_i32 : i32, i32
  }
  func.func @transform_10(%arg0: i32) -> (i32, i32, i32) {
    %c0_i32 = arith.constant 0 : i32
    %c0_i32_0 = arith.constant 0 : i32
    %c0_i32_1 = arith.constant 0 : i32
    return %c0_i32, %arg0, %c0_i32_0 : i32, i32, i32
  }
}

module attributes {stable_mosaic.version = 14 : i64} {
  func.func @body(%arg0: i32, %arg1: memref<1000x256xf32, #tpu.memory_space<vmem>>, %arg2: memref<2x1000x128xf32, #tpu.memory_space<vmem>>, %arg3: memref<2x1000x128xf32, #tpu.memory_space<vmem>>, %arg4: memref<256xf32, #tpu.memory_space<vmem>>, %arg5: memref<256xf32, #tpu.memory_space<vmem>>, %arg6: memref<512x64xf32, #tpu.memory_space<vmem>>, %arg7: memref<64xf32, #tpu.memory_space<vmem>>, %arg8: memref<1000x64xf32, #tpu.memory_space<vmem>>) attributes {dimension_semantics = [#tpu.dimension_semantics<arbitrary>], iteration_bounds = array<i64: 10>, scalar_prefetch = 0 : i64, scratch_operands = 0 : i64, tpu.core_type = #tpu.core_type<tc>, window_params = [{transform_indices = @transform_0, window_bounds = array<i64: 1000, 256>}, {transform_indices = @transform_1, window_bounds = array<i64: 2, 1000, 128>}, {transform_indices = @transform_2, window_bounds = array<i64: 2, 1000, 128>}, {pipeline_mode = #tpu.pipeline_mode<synchronous>, transform_indices = @transform_3, window_bounds = array<i64: 256>}, {pipeline_mode = #tpu.pipeline_mode<synchronous>, transform_indices = @transform_4, window_bounds = array<i64: 256>}, {pipeline_mode = #tpu.pipeline_mode<synchronous>, transform_indices = @transform_5, window_bounds = array<i64: 512, 64>}, {pipeline_mode = #tpu.pipeline_mode<synchronous>, transform_indices = @transform_6, window_bounds = array<i64: 64>}, {transform_indices = @transform_7, window_bounds = array<i64: 1000, 64>}]} {
    %get3A = arith.constant 0 : index
    %get3A_0 = arith.constant 0 : index
    %get3A_1 = arith.constant 0 : index
    %get3A_2 = vector.load %arg3[%get3A, %get3A_0, %get3A_1] : memref<2x1000x128xf32, #tpu.memory_space<vmem>>, vector<1x1000x1xf32>
    %get3A_3 = vector.shape_cast %get3A_2 : vector<1x1000x1xf32> to vector<1000x1xf32>
    %get3A_4 = arith.constant 1 : index
    %get3A_5 = arith.constant 0 : index
    %get3A_6 = arith.constant 0 : index
    %get3A_7 = vector.load %arg3[%get3A_4, %get3A_5, %get3A_6] : memref<2x1000x128xf32, #tpu.memory_space<vmem>>, vector<1x1000x1xf32>
    %get3A_8 = vector.shape_cast %get3A_7 : vector<1x1000x1xf32> to vector<1000x1xf32>
    %add3A = arith.addf %get3A_3, %get3A_8 : vector<1000x1xf32>
    %max3A = arith.constant 1.000000e+00 : f32
    %max3A_9 = vector.broadcast %max3A : f32 to vector<1000x1xf32>
    %max3A_10 = arith.maximumf %add3A, %max3A_9 : vector<1000x1xf32>
    %div3A = arith.constant 1.000000e+00 : f32
    %div3A_11 = vector.broadcast %div3A : f32 to vector<1000x1xf32>
    %div3A_12 = arith.divf %div3A_11, %max3A_10 : vector<1000x1xf32>
    %get3A_13 = arith.constant 0 : index
    %get3A_14 = arith.constant 0 : index
    %get3A_15 = vector.load %arg1[%get3A_13, %get3A_14] : memref<1000x256xf32, #tpu.memory_space<vmem>>, vector<1000x256xf32>
    %get3A_16 = arith.constant 0 : index
    %get3A_17 = vector.load %arg4[%get3A_16] : memref<256xf32, #tpu.memory_space<vmem>>, vector<256xf32>
    %broadcast_in_dim3A = vector.shape_cast %get3A_17 : vector<256xf32> to vector<1x256xf32>
    %add3A_18 = vector.broadcast %broadcast_in_dim3A : vector<1x256xf32> to vector<1000x256xf32>
    %add3A_19 = arith.addf %get3A_15, %add3A_18 : vector<1000x256xf32>
    %get3A_20 = arith.constant 0 : index
    %get3A_21 = arith.constant 0 : index
    %get3A_22 = arith.constant 0 : index
    %get3A_23 = vector.load %arg2[%get3A_20, %get3A_21, %get3A_22] : memref<2x1000x128xf32, #tpu.memory_space<vmem>>, vector<1x1000x128xf32>
    %get3A_24 = vector.shape_cast %get3A_23 : vector<1x1000x128xf32> to vector<1000x128xf32>
    %get3A_25 = arith.constant 1 : index
    %get3A_26 = arith.constant 0 : index
    %get3A_27 = arith.constant 0 : index
    %get3A_28 = vector.load %arg2[%get3A_25, %get3A_26, %get3A_27] : memref<2x1000x128xf32, #tpu.memory_space<vmem>>, vector<1x1000x128xf32>
    %get3A_29 = vector.shape_cast %get3A_28 : vector<1x1000x128xf32> to vector<1000x128xf32>
    %concatenate3A = tpu.concatenate %get3A_24, %get3A_29 in 1 : vector<1000x128xf32>, vector<1000x128xf32> -> vector<1000x256xf32>
    %mul3A = vector.broadcast %div3A_12 : vector<1000x1xf32> to vector<1000x256xf32>
    %mul3A_30 = arith.mulf %concatenate3A, %mul3A : vector<1000x256xf32>
    %get3A_31 = arith.constant 0 : index
    %get3A_32 = vector.load %arg5[%get3A_31] : memref<256xf32, #tpu.memory_space<vmem>>, vector<256xf32>
    %broadcast_in_dim3A_33 = vector.shape_cast %get3A_32 : vector<256xf32> to vector<1x256xf32>
    %add3A_34 = vector.broadcast %broadcast_in_dim3A_33 : vector<1x256xf32> to vector<1000x256xf32>
    %add3A_35 = arith.addf %mul3A_30, %add3A_34 : vector<1000x256xf32>
    %concatenate3A_36 = tpu.concatenate %add3A_19, %add3A_35 in 1 : vector<1000x256xf32>, vector<1000x256xf32> -> vector<1000x512xf32>
    %max3A_37 = arith.constant 0.000000e+00 : f32
    %max3A_38 = vector.broadcast %max3A_37 : f32 to vector<1000x512xf32>
    %max3A_39 = arith.maximumf %concatenate3A_36, %max3A_38 : vector<1000x512xf32>
    %mul3A_40 = arith.mulf %max3A_39, %max3A_39 : vector<1000x512xf32>
    %reduce_sum3A = arith.constant dense<0.000000e+00> : vector<1000xf32>
    %reduce_sum3A_41 = vector.multi_reduction <add>, %mul3A_40, %reduce_sum3A [1] : vector<1000x512xf32> to vector<1000xf32>
    %broadcast_in_dim3A_42 = vector.shape_cast %reduce_sum3A_41 : vector<1000xf32> to vector<1000x1xf32>
    %sqrt3A = math.sqrt %broadcast_in_dim3A_42 : vector<1000x1xf32>
    %max3A_43 = arith.constant 9.99999996E-13 : f32
    %max3A_44 = vector.broadcast %max3A_43 : f32 to vector<1000x1xf32>
    %max3A_45 = arith.maximumf %sqrt3A, %max3A_44 : vector<1000x1xf32>
    %div3A_46 = vector.broadcast %max3A_45 : vector<1000x1xf32> to vector<1000x512xf32>
    %div3A_47 = arith.divf %max3A_39, %div3A_46 : vector<1000x512xf32>
    %get3A_48 = arith.constant 0 : index
    %get3A_49 = arith.constant 0 : index
    %get3A_50 = vector.load %arg6[%get3A_48, %get3A_49] : memref<512x64xf32, #tpu.memory_space<vmem>>, vector<512x64xf32>
    %dot_general3A = arith.constant dense<0.000000e+00> : vector<1000x64xf32>
    %dot_general3A_51 = tpu.matmul %div3A_47, %get3A_50, %dot_general3A {dimension_numbers = #tpu.dot_dimension_numbers<[1], [0], [0], [1], [0, 0, 1, 1], [], []>, transpose_lhs_hint = false} : vector<1000x512xf32>, vector<512x64xf32>, vector<1000x64xf32> -> vector<1000x64xf32>
    %get3A_52 = arith.constant 0 : index
    %get3A_53 = vector.load %arg7[%get3A_52] : memref<64xf32, #tpu.memory_space<vmem>>, vector<64xf32>
    %broadcast_in_dim3A_54 = vector.shape_cast %get3A_53 : vector<64xf32> to vector<1x64xf32>
    %add3A_55 = vector.broadcast %broadcast_in_dim3A_54 : vector<1x64xf32> to vector<1000x64xf32>
    %add3A_56 = arith.addf %dot_general3A_51, %add3A_55 : vector<1000x64xf32>
    %swap3A = arith.constant 0 : index
    %swap3A_57 = arith.constant 0 : index
    %swap3A_58 = vector.load %arg8[%swap3A, %swap3A_57] : memref<1000x64xf32, #tpu.memory_space<vmem>>, vector<1000x64xf32>
    tpu.vector_store %arg8[%swap3A, %swap3A_57], %add3A_56 {strides = array<i32>} : memref<1000x64xf32, #tpu.memory_space<vmem>>, vector<1000x64xf32>,
    return
  }
  func.func @transform_0(%arg0: i32) -> (i32, i32) {
    %c0_i32 = arith.constant 0 : i32
    %c0_i32_0 = arith.constant 0 : i32
    return %arg0, %c0_i32 : i32, i32
  }
  func.func @transform_1(%arg0: i32) -> (i32, i32, i32) {
    %c0_i32 = arith.constant 0 : i32
    %c0_i32_0 = arith.constant 0 : i32
    %c0_i32_1 = arith.constant 0 : i32
    return %c0_i32, %arg0, %c0_i32_0 : i32, i32, i32
  }
  func.func @transform_2(%arg0: i32) -> (i32, i32, i32) {
    %c0_i32 = arith.constant 0 : i32
    %c0_i32_0 = arith.constant 0 : i32
    %c0_i32_1 = arith.constant 0 : i32
    return %c0_i32, %arg0, %c0_i32_0 : i32, i32, i32
  }
  func.func @transform_3(%arg0: i32) -> i32 {
    %c0_i32 = arith.constant 0 : i32
    %c0_i32_0 = arith.constant 0 : i32
    return %c0_i32 : i32
  }
  func.func @transform_4(%arg0: i32) -> i32 {
    %c0_i32 = arith.constant 0 : i32
    %c0_i32_0 = arith.constant 0 : i32
    return %c0_i32 : i32
  }
  func.func @transform_5(%arg0: i32) -> (i32, i32) {
    %c0_i32 = arith.constant 0 : i32
    %c0_i32_0 = arith.constant 0 : i32
    %c0_i32_1 = arith.constant 0 : i32
    return %c0_i32, %c0_i32_0 : i32, i32
  }
  func.func @transform_6(%arg0: i32) -> i32 {
    %c0_i32 = arith.constant 0 : i32
    %c0_i32_0 = arith.constant 0 : i32
    return %c0_i32 : i32
  }
  func.func @transform_7(%arg0: i32) -> (i32, i32) {
    %c0_i32 = arith.constant 0 : i32
    %c0_i32_0 = arith.constant 0 : i32
    return %arg0, %c0_i32 : i32, i32
  }
}

</mosaic_0001>

<sc_bundles>
// kernel: kernel.10.cloned.1.call-start
scs
__scs_entry_jumppad:
0x0: {  	(pc) =	sbr.rel $0x88, $3  }
0x1: {  	(tag) =	ssettag $0x0;
	lr =	simm.s32 $0x1  }
0x2: {  	[smem:$0x3F95] =	sst lr;
	_ =	strace $0xD0000000  }
0x3: {  	_ = 	snop  }
0x4: {  	_ = 	snop  }
0x5: {  	_ = 	snop  }
0x6: {  	_ = 	snop  }
0x7: {  	_ = 	snop  }
__scs_overlays_trampoline_lowered:
0x8: {  	[smem:$0x3FA4] =	sst s0  }
0x9: {  	[smem:$0x3FA5] =	sst s1  }
0xa: {  	[smem:$0x3FA6] =	sst s2  }
0xb: {  	[smem:$0x3FA7] =	sst s3  }
0xc: {  	[smem:$0x3FA8] =	sst s4  }
0xd: {  	[smem:$0x3FA9] =	sst s5  }
0xe: {  	[smem:$0x3FAA] =	sst s6  }
0xf: {  	[smem:$0x3FAB] =	sst s7  }
0x10: {  	[smem:$0x3FAC] =	sst s8  }
0x11: {  	[smem:$0x3FAD] =	sst s9;
	s0 =	simm.s32 @!p0 $0x0  }
0x12: {  	s1 =	sld [smem:$0x3F93];
	s0 =	simm.s32 @p0 $0x1  }
0x13: {  	[smem:$0x3FAE] =	sst s0;
	s0 =	simm.s32 @!p1 $0x0  }
0x14: {  	s2 =	sld [smem:$0x3F92];
	s0 =	simm.s32 @p1 $0x1  }
0x15: {  	[smem:$0x3FAF] =	sst s0;
	s0 =	simm.s32 @!p2 $0x0  }
0x16: {  	s3 =	sld [smem:$0x3FDB];
	s0 =	simm.s32 @p2 $0x1  }
0x17: {  	s4 =	simm.s32 $0x1BF5;
	[smem:$0x3FB1] =	sst s0  }
0x18: {  	s0 =	sld [smem:$0x3F94];
	_ =	swait.ge [sflag:s4], $0x0  }
0x19: {  	s7 =	sld [smem:$0x3F95]  }
0x1a: {  	s8 =	sadd.s32 $0xFFFFE003, lr  }
0x1b: {  	s9 =	sadd.s32 $0xFFFFFEF7, lr;
	s5 =	simm.s32 $0xFFFFFFFF;
	p2 =	slt.u32 s8, $0xFFFFF086  }
0x1c: {  	p1 =	slt.u32 s9, $0xF7A;
	s5 =	simm.s32 @!p2 $0x0  }
0x1d: {  	s5 =	simm.s32 @p1 $0x1;
	p0 =	seq.s32 s7, s2  }
0x1e: {  	s7 =	smul.u32 @!p0 $0xF7A, s2;
	p2 =	seq.s32 @!p0 s5, $0x0  }
0x1f: {  	s9 =	smul.u32 $0xF7A, s1;
	s8 =	simm.s32 @!p0 $0x1BF5;
	p2 =	por !p2, p0  }
0x20: {  	[sflag:s8] =	ssyncset.s32 @!p0 $0xFFFFF086;
	s6 =	sadd.s32 @!p0 s3, s7;
	s7 =	simm.s32 @!p0 $0x108  }
0x21: {  	s3 =	sadd.s32 s3, s9;
	s6 =	sadd.s32 @!p0 $0x88, s6;
	s7 =	simm.s32 @p2 $0x1082  }
0x22: {  	[simem:s7], [sflag:s8] =	dma.local @!p0 [hbm:s6], $0xF7A  }
0x23: {  	s9 =	sor.u32 $0xD0000000, s2;
	s6 =	simm.s32 $0x108;
	_ =	swait.ge @!p0 [sflag:s8], $0x0  }
0x24: {  	s3 =	sadd.s32 $0x88, s3;
	s6 =	simm.s32 @!p1 $0x1082;
	[sflag:s4] =	ssyncset.s32 $0xFFFFF086  }
0x25: {  	[simem:s6], [sflag:s4] =	dma.local [hbm:s3], $0xF7A  }
0x26: {  	[smem:$0x3F95] =	sst s1;
	(tag) =	ssettag s2;
	_ =	strace s9  }
0x27: {  	s1 =	sld [smem:$0x3FA5]  }
0x28: {  	s2 =	sld [smem:$0x3FA6]  }
0x29: {  	s4 =	sld [smem:$0x3FA8]  }
0x2a: {  	p0 =	seq.s32 s5, $0x0;
	s5 =	sld [smem:$0x3FA9]  }
0x2b: {  	s6 =	sld [smem:$0x3FAA]  }
0x2c: {  	s7 =	sld [smem:$0x3FAB]  }
0x2d: {  	s3 =	simm.s32 $0x108;
	s8 =	sld [smem:$0x3FAC]  }
0x2e: {  	s3 =	simm.s32 @!p0 $0x1082;
	s9 =	sld [smem:$0x3FAD]  }
0x2f: {  	lr =	sadd.s32 s0, s3;
	s0 =	sld [smem:$0x3FA4]  }
0x30: {  	s3 =	sld [smem:$0x3FA7]  }
0x31: {  	[smem:$0x3FB0] =	sst s10  }
0x32: {  	s10 =	sld [smem:$0x3FAE];
	_ =	sdelay $0x3  }
0x33: {  	p0 =	seq.s32 s10, $0x1;
	s10 =	sld [smem:$0x3FB0];
	_ =	sdelay $0x3  }
0x34: {  	[smem:$0x3FB0] =	sst s10  }
0x35: {  	s10 =	sld [smem:$0x3FAF];
	_ =	sdelay $0x3  }
0x36: {  	p1 =	seq.s32 s10, $0x1;
	s10 =	sld [smem:$0x3FB0];
	_ =	sdelay $0x3  }
0x37: {  	[smem:$0x3FB0] =	sst s10  }
0x38: {  	s10 =	sld [smem:$0x3FB1]  }
0x39: {  	_ = 	snop;
	(pc) =	sbr.ind lr, $3  }
0x3a: {  	_ = 	snop  }
0x3b: {  	_ = 	snop  }
0x3c: {  	p2 =	seq.s32 s10, $0x1;
	s10 =	sld [smem:$0x3FB0]  }
0x3d: {  	_ =	shalt  }
0x3e: {  	_ =	shalt  }
0x3f: {  	_ =	shalt  }
0x40: {  	_ =	shalt  }
0x41: {  	_ =	shalt  }
0x42: {  	_ =	shalt  }
0x43: {  	_ =	shalt  }
0x44: {  	_ =	shalt  }
0x45: {  	_ =	shalt  }
0x46: {  	_ =	shalt  }
0x47: {  	_ =	shalt  }
0x48: {  	_ =	shalt  }
0x49: {  	_ =	shalt  }
0x4a: {  	_ =	shalt  }
0x4b: {  	_ =	shalt  }
0x4c: {  	_ =	shalt  }
0x4d: {  	_ =	shalt  }
0x4e: {  	_ =	shalt  }
0x4f: {  	_ =	shalt  }
0x50: {  	_ =	shalt  }
0x51: {  	_ =	shalt  }
0x52: {  	_ =	shalt  }
0x53: {  	_ =	shalt  }
0x54: {  	_ =	shalt  }
0x55: {  	_ =	shalt  }
0x56: {  	_ =	shalt  }
0x57: {  	_ =	shalt  }
0x58: {  	_ =	shalt  }
0x59: {  	_ =	shalt  }
0x5a: {  	_ =	shalt  }
0x5b: {  	_ =	shalt  }
0x5c: {  	_ =	shalt  }
0x5d: {  	_ =	shalt  }
0x5e: {  	_ =	shalt  }
0x5f: {  	_ =	shalt  }
0x60: {  	_ =	shalt  }
0x61: {  	_ =	shalt  }
0x62: {  	_ =	shalt  }
0x63: {  	_ =	shalt  }
0x64: {  	_ =	shalt  }
0x65: {  	_ =	shalt  }
0x66: {  	_ =	shalt  }
0x67: {  	_ =	shalt  }
0x68: {  	_ =	shalt  }
0x69: {  	_ =	shalt  }
0x6a: {  	_ =	shalt  }
0x6b: {  	_ =	shalt  }
0x6c: {  	_ =	shalt  }
0x6d: {  	_ =	shalt  }
0x6e: {  	_ =	shalt  }
0x6f: {  	_ =	shalt  }
0x70: {  	_ =	shalt  }
0x71: {  	_ =	shalt  }
0x72: {  	_ =	shalt  }
0x73: {  	_ =	shalt  }
0x74: {  	_ =	shalt  }
0x75: {  	_ =	shalt  }
0x76: {  	_ =	shalt  }
0x77: {  	_ =	shalt  }
0x78: {  	_ =	shalt  }
0x79: {  	_ =	shalt  }
0x7a: {  	_ =	shalt  }
0x7b: {  	_ =	shalt  }
0x7c: {  	_ =	shalt  }
0x7d: {  	_ =	shalt  }
0x7e: {  	_ =	shalt  }
0x7f: {  	_ =	shalt  }
0x80: {  	_ =	shalt  }
0x81: {  	_ =	shalt  }
0x82: {  	_ =	shalt  }
0x83: {  	_ =	shalt  }
0x84: {  	_ =	shalt  }
0x85: {  	_ =	shalt  }
0x86: {  	_ =	shalt  }
0x87: {  	_ =	shalt  }
.Lfunc_end0:
.L_simem_size_0:
called_computation.1_lowered:
.L_overlay_start_0:
0x88: {  	s2 =	sld [smem:$0x3FD9]  }
0x89: {  	s3 =	sld [smem:$0x3FFE];
	_ =	sdelay $0x1  }
0x8a: {  	s1 =	srdreg.scid  }
0x8b: {  	s0 =	sand.u32 $0x1, s1  }
0x8c: {  	s17 =	sshll.u32 s0, $0xA;
	s2 =	sadd.s32 s3, s2  }
0x8d: {  	s2 =	sadd.s32 s2, s17  }
0x8e: {  	[smem:$0x3FBC] =	sst s2  }
0x8f: {  	_ = 	snop  }
0x90: {  	s2 =	sld [smem:$0x3FC9]  }
0x91: {  	s18 =	sld [smem:$0x3FD0];
	(tm) =	ssettm $0x1  }
0x92: {  	s4 =	sld [smem:$0x3FFB];
	_ =	sdelay $0x3  }
0x93: {  	_ =	strace s4  }
0x94: {  	s4 =	sld [smem:$0x3FFC];
	_ =	sdelay $0x3  }
0x95: {  	_ =	strace s4  }
0x96: {  	s4 =	sld [smem:$0x3FFD];
	_ =	sdelay $0x3  }
0x97: {  	_ =	strace s4  }
0x98: {  	_ =	strace $0x8FFFFFFF  }
0x99: {  	s19 =	sld [smem:$0x3FDB];
	_ =	sdelay $0x1  }
0x9a: {  	s5 =	simm.s32 $_scs_section_size  }
0x9b: {  	s6 =	simm.s32 $_size__tile_overlayer_lowered;
	s7 =	simm.s32 $_tile_overlayer_lowered  }
0x9c: {  	s22 =	simm.s32 $0x1BFF;
	s21 =	sshll.u32 s7, $0x1;
	s4 =	sadd.s32 s5, s19  }
0x9d: {  	s8 =	simm.s32 $0x0;
	s20 =	sshll.u32 s6, $0x1;
	s6 =	sadd.s32 s21, s4  }
0x9e: {  	[timem:s8], [sflag:s22] =	dma.local [hbm:s6], s20  }
0x9f: {  	_ =	swait.ge [sflag:s22], s20  }
0xa0: {  	s5 =	ssub.s32 $0x0, s20;
	[sflag:s22] =	ssyncset.done $0x0  }
0xa1: {  	[sflag:s22] =	ssyncadd.s32 s5;
	_ =	sdelay $0x1  }
0xa2: {  	s23 =	simm.s32 $0x1B8B  }
0xa3: {  	_ =	swait.ge [sflag:s23], $0x1  }
0xa4: {  	[sflag:s23] =	ssyncset.done $0x0  }
0xa5: {  	s25 =	simm.s32 $0x1B8E;
	s24 =	sld [smem:$0x3FFE];
	[sflag:s23] =	ssyncadd.s32 $0xFFFFFFFF  }
0xa6: {  	s26 =	simm.s32 $execute0_lowered;
	[smem:$0x3FD2] =	sst s25  }
0xa7: {  	s6 =	sshll.u32 s26, $0x1;
	_ =	strace $0x80000046;
	[dreg:$0x1] =	wrdreg $0xFFFFFFFF  }
0xa8: {  	s28 =	simm.s32 $_size_execute0_lowered;
	s4 =	sadd.s32 s4, s6;
	[dreg:$0x0] =	wrdreg $0x0  }
0xa9: {  	s6 =	sshll.u32 s28, $0x1;
	[dreg:$0x2] =	wrdreg s4  }
0xaa: {  	[dreg:$0x3] =	wrdreg s6  }
0xab: {  	[dreg:$0x4] =	wrdreg $0xC0  }
0xac: {  	_ =	task [dreg:s8], $0x5FFFF  }
0xad: {  	[dreg:$0x1] =	wrdreg $0xFFFFFFFF  }
0xae: {  	[dreg:$0x0] =	wrdreg $0x60  }
0xaf: {  	[dreg:$0x2] =	wrdreg s2  }
0xb0: {  	[dreg:$0x3] =	wrdreg s24  }
0xb1: {  	[dreg:$0x4] =	wrdreg s18  }
0xb2: {  	[dreg:$0x5] =	wrdreg $0xB0000  }
0xb3: {  	[dreg:$0x6] =	wrdreg $0xA  }
0xb4: {  	_ =	task.clear_ibuf [dreg:s8], $0x7FFFF;
	_ =	strace $0x90000046  }
0xb5: {  	s29 =	simm.s32 $0xA;
	_ =	strace $0x80000048  }
0xb6: {  	_ =	swait.ge [sflag:s29], $0x1  }
0xb7: {  	[sflag:s29] =	ssyncadd.s32 $0xFFFFFFFF  }
0xb8: {  	_ =	strace $0x90000048  }
0xb9: {  	_ =	sfence  }
0xba: {  	s30 =	sld [smem:$0x0];
	_ =	sdelay $0x2  }
0xbb: {  	s31 =	sshll.u32 s1, $0xD;
	s1 =	sshrl.u32 s1, $0x2  }
0xbc: {  	s3 =	sand.u32 $0x4000, s31;
	s1 =	sadd.s32 s1, s30  }
0xbd: {  	s0 =	sor.u32 s3, s0;
	s1 =	sshll.u32 s1, $0x11  }
0xbe: {  	s0 =	sor.u32 s1, s0  }
0xbf: {  	s0 =	sadd.s32 $0x8F2B, s0  }
0xc0: {  	[sflag:s0] =	ssyncadd.remote.s32 $0x1  }
0xc1: {  	_ =	sfence.sel $0xFFFF  }
0xc2: {  	[dreg:$0x0] =	wrdreg $0xFFFFFFFF;
	(pc) =	sbr.abs _section_cstart, $3  }
0xc3: {  	[dreg:$0x1] =	wrdreg $0xFFFFFFFF  }
0xc4: {  	_ =	task.clear_ibuf [dreg:s8], $0x2FFFF;
	_ =	strace $0x9FFFFFFF  }
0xc5: {  	(tm) =	ssettm $0x7FFFFFFF  }
tec
execute0_lowered:
.L_overlay_start_1:
0x0: {  	(tag) =	ssettag $0x1  }
0x1: {  	s0 =	rddreg [dreg:$0x0]  }
0x2: {  	s6 =	rddreg [dreg:$0x1]  }
0x3: {  	s12 =	rddreg [dreg:$0x2];
	s1 =	srdreg.scid  }
0x4: {  	s3 =	rddreg [dreg:$0x3];
	s2 =	stileid.u32  }
0x5: {  	s4 =	simm.s32 $0x0;
	s15 =	simm.s32 $0x1400;
	s16 =	simm.s32 $0x80  }
0x6: {  	s17 =	simm.s32 $0x2800;
	s18 =	simm.s32 $0x1;
	s19 =	simm.s32 $0x6800  }
0x7: {  	s20 =	simm.s32 $0x2;
	s21 =	simm.s32 $0x1380;
	s22 =	simm.s32 $0x2700  }
0x8: {  	s5 =	sand.u32 $0x1, s1;
	s1 =	rddreg [dreg:$0x4];
	s8 =	smul.u32 $0x13C00, s2  }
0x9: {  	s23 =	simm.s32 $0x2780;
	[smem:$0x7FF] =	sst s4;
	s29 =	smul.u32 $0x4F000, s2  }
0xa: {  	s11 =	sadd.s32 $0x2600, s6;
	s7 =	smul.u32 $0x13C000, s5;
	s9 =	sshll.u32 s5, $0x4  }
0xb: {  	_ =	strace $0x80000047;
	s10 =	ssub.s32 $0x2, s5;
	s9 =	sor.u32 s2, s9  }
0xc: {  	s30 =	sshrl.u32 s29, $0x2;
	s31 =	sshrl.u32 s10, $0x1;
	s7 =	sadd.s32 s8, s7  }
0xd: {  	s13 =	smul.u32 $0x500, s9;
	s8 =	ssub.s32 s10, s31;
	s7 =	sshrl.u32 s7, $0x3  }
0xe: {  	s5 =	sadd.s32 s30, s3;
	s8 =	smax.u32 s8, $0x1;
	s7 =	sadd.s32 s7, s6  }
0xf: {  	s6 =	sadd.s32 $0x13800, s5;
	s14 =	sadd.s32 $0x280, s13;
	s9 =	sadd.s32 s11, s13  }
0x10: {  	s10 =	sadd.s32 s12, s13;
	s13 =	simm.s32 $0xA800;
	s7 =	sadd.s32 $0xC600, s7  }
0x11: {  	v0 =	vimm.f32 $0.0e+00;
	s11 =	sadd.s32 s11, s14;
	s12 =	sadd.s32 s12, s14;
	s14 =	simm.s32 $0x3  }
.LBB2_1:
0x12: {  	s24 =	simm.s32 $0x0;
	s25 =	simm.s32 $0x200  }
.LBB2_2:
0x13: {  	p0 =	sne.s32 s25, $0x1E00;
	[tilespmem:s24+$0xA870] =	vst v0  }
0x14: {  	[tilespmem:s24+$0xA800] =	vst v0  }
0x15: {  	[tilespmem:s24+$0xA810] =	vst v0  }
.Ltmp0:
0x16: {  	[tilespmem:s24+$0xA820] =	vst v0;
	(pc) =	sbr.rel @p0 .LBB2_2-.Ltmp0, $4  }
0x17: {  	[tilespmem:s24+$0xA830] =	vst v0  }
0x18: {  	[tilespmem:s24+$0xA840] =	vst v0  }
0x19: {  	[tilespmem:s24+$0xA850] =	vst v0  }
0x1a: {  	[tilespmem:s24+$0xA860] =	vst v0;
	s24 =	sshra.s32 s25, $0x2;
	s25 =	sadd.s32 $0x200, s25  }
0x1b: {  	[tilespmem:s24+$0xA870] =	vst v0  }
0x1c: {  	[tilespmem:s24+$0xA800] =	vst v0  }
0x1d: {  	[tilespmem:s24+$0xA810] =	vst v0  }
0x1e: {  	[tilespmem:s24+$0xA820] =	vst v0  }
0x1f: {  	[tilespmem:s24+$0xA830] =	vst v0  }
0x20: {  	[tilespmem:s24+$0xA840] =	vst v0  }
0x21: {  	[tilespmem:s24+$0xA850] =	vst v0  }
0x22: {  	[tilespmem:s24+$0xA860] =	vst v0;
	s31 =	sadd.s32 $0x0, s5  }
0x23: {  	[spmem:s31] =	stream.linear.scatter [tilespmem:s13], [sflag:$0x3], $0x800, $0x38;
	[tilespmem:$0x1EC00] =	vst v63  }
0x24: {  	s24 =	simm.s32 $0x2000;
	_ =	swait.ge [sflag:s14], $0x800  }
.LBB2_4:
0x25: {  	s25 =	sshra.s32 s24, $0x2;
	[sflag:s14] =	ssyncset.done $0x0;
	p0 =	sne.s32 s24, $0x4C000  }
.Ltmp1:
0x26: {  	s25 =	sadd.s32 s25, s5;
	[sflag:s14] =	ssyncadd.s32 $0xFFFFF800;
	(pc) =	sbr.rel @p0 .LBB2_4-.Ltmp1, $3  }
0x27: {  	[spmem:s25] =	stream.linear.scatter [tilespmem:s13], [sflag:$0x3], $0x800, $0x38;
	[tilespmem:$0x1EC00] =	vst v63  }
0x28: {  	s24 =	sadd.s32 $0x2000, s24;
	_ =	sdelay $0x1  }
0x29: {  	_ =	swait.ge [sflag:s14], $0x800  }
0x2a: {  	[sflag:s14] =	ssyncset.done $0x0  }
0x2b: {  	[sflag:s14] =	ssyncadd.s32 $0xFFFFF800  }
0x2c: {  	[spmem:s6] =	stream.linear.scatter [tilespmem:s13], [sflag:$0x3], $0x400, $0x38;
	[tilespmem:$0x1EC00] =	vst v63  }
0x2d: {  	_ =	swait.ge [sflag:s14], $0x400  }
0x2e: {  	[sflag:s14] =	ssyncset.done $0x0  }
0x2f: {  	[sflag:s14] =	ssyncadd.s32 $0xFFFFFC00  }
0x30: {  	s24 =	simm.s32 $0x0;
	[bflag:$0x0] =	sbarrier.arrive $0xFFFF  }
0x31: {  	[tilespmem:s24], [sflag:$0x3] =	stream.linear.gather [hbm4b:s9+s24], $0x1400, $0x38;
	[tilespmem:$0x1EC00] =	vst v63  }
0x32: {  	_ =	swait.ge [sflag:s14], $0x1400  }
0x33: {  	[sflag:s14] =	ssyncset.done $0x0  }
0x34: {  	[sflag:s14] =	ssyncadd.s32 $0xFFFFEC00  }
0x35: {  	[tilespmem:s15], [sflag:$0x3] =	stream.linear.gather [hbm4b:s10+s24], $0x1400, $0x38;
	[tilespmem:$0x1EC00] =	vst v63  }
0x36: {  	_ =	swait.ge [sflag:s14], $0x1400  }
0x37: {  	[sflag:s14] =	ssyncset.done $0x0  }
0x38: {  	[sflag:s14] =	ssyncadd.s32 $0xFFFFEC00  }
0x39: {  	[tilespmem:s17], [sflag:$0x1] =	stream.indirect.gather [hbm4b:s0+s16], $0x80, s24, s16, $0xb8;
	[tilespmem:$0x1EC00] =	vst v63  }
0x3a: {  	_ =	swait.ge [sflag:s18], $0x4000  }
0x3b: {  	[sflag:s18] =	ssyncset.done $0x0  }
0x3c: {  	s28 =	simm.s32 $0x80;
	[sflag:s18] =	ssyncadd.s32 $0xFFFFC000  }
0x3d: {  	[tilespmem:s19], [sflag:$0x2] =	stream.indirect.gather [hbm4b:s0+s16], $0x80, s28, s16, $0xb8;
	[tilespmem:$0x1EC00] =	vst v63  }
0x3e: {  	s29 =	simm.s32 $0x1400  }
0x3f: {  	[spmem:s3] =	stream.indirect.scatter.add.f32 [tilespmem:s17], [sflag:$0x3], $0x80, s29, s16, $0xb8;
	[tilespmem:$0x1EC00] =	vst v63  }
0x40: {  	_ =	swait.ge [sflag:s14], $0x4000  }
0x41: {  	[sflag:s14] =	ssyncset.done $0x0  }
0x42: {  	[sflag:s14] =	ssyncadd.s32 $0xFFFFC000  }
0x43: {  	_ =	swait.ge [sflag:s20], $0x4000  }
0x44: {  	[sflag:s20] =	ssyncset.done $0x0  }
0x45: {  	s30 =	simm.s32 $0x100;
	[sflag:s20] =	ssyncadd.s32 $0xFFFFC000  }
0x46: {  	[tilespmem:s17], [sflag:$0x1] =	stream.indirect.gather [hbm4b:s0+s16], $0x80, s30, s16, $0xb8;
	[tilespmem:$0x1EC00] =	vst v63  }
0x47: {  	s31 =	simm.s32 $0x1480  }
0x48: {  	[spmem:s3] =	stream.indirect.scatter.add.f32 [tilespmem:s19], [sflag:$0x3], $0x80, s31, s16, $0xb8;
	[tilespmem:$0x1EC00] =	vst v63  }
0x49: {  	_ =	swait.ge [sflag:s14], $0x4000  }
0x4a: {  	s24 =	simm.s32 $0x400;
	[sflag:s14] =	ssyncset.done $0x0  }
.LBB2_6:
0x4b: {  	p0 =	sne.s32 s24, $0x4800  }
0x4c: {  	[sflag:s14] =	ssyncadd.s32 $0xFFFFC000;
	s25 =	smov.u32 s24;
	s24 =	sadd.s32 $0x400, s24  }
0x4d: {  	_ = 	snop  }
0x4e: {  	_ =	swait.ge [sflag:s18], $0x4000  }
0x4f: {  	s25 =	sshra.s32 s25, $0x2;
	[sflag:s18] =	ssyncset.done $0x0  }
0x50: {  	s26 =	sadd.s32 $0x80, s25;
	[sflag:s18] =	ssyncadd.s32 $0xFFFFC000  }
0x51: {  	[tilespmem:s19], [sflag:$0x2] =	stream.indirect.gather [hbm4b:s0+s16], $0x80, s26, s16, $0xb8;
	[tilespmem:$0x1EC00] =	vst v63  }
0x52: {  	s26 =	sadd.s32 $0x1400, s25  }
0x53: {  	[spmem:s3] =	stream.indirect.scatter.add.f32 [tilespmem:s17], [sflag:$0x3], $0x80, s26, s16, $0xb8;
	[tilespmem:$0x1EC00] =	vst v63  }
0x54: {  	_ =	swait.ge [sflag:s14], $0x4000  }
0x55: {  	[sflag:s14] =	ssyncset.done $0x0  }
0x56: {  	[sflag:s14] =	ssyncadd.s32 $0xFFFFC000  }
0x57: {  	_ =	swait.ge [sflag:s20], $0x4000  }
0x58: {  	[sflag:s20] =	ssyncset.done $0x0  }
0x59: {  	s26 =	sadd.s32 $0x100, s25;
	[sflag:s20] =	ssyncadd.s32 $0xFFFFC000  }
0x5a: {  	[tilespmem:s17], [sflag:$0x1] =	stream.indirect.gather [hbm4b:s0+s16], $0x80, s26, s16, $0xb8;
	[tilespmem:$0x1EC00] =	vst v63  }
.Ltmp2:
0x5b: {  	_ = 	snop;
	(pc) =	sbr.rel @p0 .LBB2_6-.Ltmp2, $4  }
0x5c: {  	s25 =	sadd.s32 $0x1480, s25  }
0x5d: {  	[spmem:s3] =	stream.indirect.scatter.add.f32 [tilespmem:s19], [sflag:$0x3], $0x80, s25, s16, $0xb8;
	[tilespmem:$0x1EC00] =	vst v63  }
0x5e: {  	_ =	swait.ge [sflag:s14], $0x4000  }
0x5f: {  	[sflag:s14] =	ssyncset.done $0x0  }
0x60: {  	[sflag:s14] =	ssyncadd.s32 $0xFFFFC000  }
0x61: {  	_ =	swait.ge [sflag:s18], $0x4000  }
0x62: {  	[sflag:s18] =	ssyncset.done $0x0  }
0x63: {  	[sflag:s18] =	ssyncadd.s32 $0xFFFFC000  }
0x64: {  	[tilespmem:s19], [sflag:$0x2] =	stream.indirect.gather [hbm4b:s0+s16], $0x80, s21, s16, $0xb8;
	[tilespmem:$0x1EC00] =	vst v63  }
0x65: {  	_ = 	snop  }
0x66: {  	[spmem:s3] =	stream.indirect.scatter.add.f32 [tilespmem:s17], [sflag:$0x3], $0x80, s22, s16, $0xb8;
	[tilespmem:$0x1EC00] =	vst v63  }
0x67: {  	_ =	swait.ge [sflag:s14], $0x4000  }
0x68: {  	[sflag:s14] =	ssyncset.done $0x0  }
0x69: {  	[sflag:s14] =	ssyncadd.s32 $0xFFFFC000  }
0x6a: {  	_ =	swait.ge [sflag:s20], $0x4000  }
0x6b: {  	[sflag:s20] =	ssyncset.done $0x0  }
0x6c: {  	[sflag:s20] =	ssyncadd.s32 $0xFFFFC000  }
0x6d: {  	[spmem:s3] =	stream.indirect.scatter.add.f32 [tilespmem:s19], [sflag:$0x3], $0x80, s23, s16, $0xb8;
	[tilespmem:$0x1EC00] =	vst v63  }
0x6e: {  	_ =	swait.ge [sflag:s14], $0x4000  }
0x6f: {  	[sflag:s14] =	ssyncset.done $0x0  }
0x70: {  	s24 =	simm.s32 $0x0;
	[sflag:s14] =	ssyncadd.s32 $0xFFFFC000  }
0x71: {  	[tilespmem:s24], [sflag:$0x3] =	stream.linear.gather [hbm4b:s11+s24], $0x1400, $0x38;
	[tilespmem:$0x1EC00] =	vst v63  }
0x72: {  	_ =	swait.ge [sflag:s14], $0x1400  }
0x73: {  	[sflag:s14] =	ssyncset.done $0x0  }
0x74: {  	[sflag:s14] =	ssyncadd.s32 $0xFFFFEC00  }
0x75: {  	[tilespmem:s15], [sflag:$0x3] =	stream.linear.gather [hbm4b:s12+s24], $0x1400, $0x38;
	[tilespmem:$0x1EC00] =	vst v63  }
0x76: {  	_ =	swait.ge [sflag:s14], $0x1400  }
0x77: {  	[sflag:s14] =	ssyncset.done $0x0  }
0x78: {  	[sflag:s14] =	ssyncadd.s32 $0xFFFFEC00  }
0x79: {  	[tilespmem:s17], [sflag:$0x1] =	stream.indirect.gather [hbm4b:s0+s16], $0x80, s24, s16, $0xb8;
	[tilespmem:$0x1EC00] =	vst v63  }
0x7a: {  	_ =	swait.ge [sflag:s18], $0x4000  }
0x7b: {  	[sflag:s18] =	ssyncset.done $0x0  }
0x7c: {  	s28 =	simm.s32 $0x80;
	[sflag:s18] =	ssyncadd.s32 $0xFFFFC000  }
0x7d: {  	[tilespmem:s19], [sflag:$0x2] =	stream.indirect.gather [hbm4b:s0+s16], $0x80, s28, s16, $0xb8;
	[tilespmem:$0x1EC00] =	vst v63  }
0x7e: {  	s29 =	simm.s32 $0x1400  }
0x7f: {  	[spmem:s3] =	stream.indirect.scatter.add.f32 [tilespmem:s17], [sflag:$0x3], $0x80, s29, s16, $0xb8;
	[tilespmem:$0x1EC00] =	vst v63  }
0x80: {  	_ =	swait.ge [sflag:s14], $0x4000  }
0x81: {  	[sflag:s14] =	ssyncset.done $0x0  }
0x82: {  	[sflag:s14] =	ssyncadd.s32 $0xFFFFC000  }
0x83: {  	_ =	swait.ge [sflag:s20], $0x4000  }
0x84: {  	[sflag:s20] =	ssyncset.done $0x0  }
0x85: {  	s30 =	simm.s32 $0x100;
	[sflag:s20] =	ssyncadd.s32 $0xFFFFC000  }
0x86: {  	[tilespmem:s17], [sflag:$0x1] =	stream.indirect.gather [hbm4b:s0+s16], $0x80, s30, s16, $0xb8;
	[tilespmem:$0x1EC00] =	vst v63  }
0x87: {  	s31 =	simm.s32 $0x1480  }
0x88: {  	[spmem:s3] =	stream.indirect.scatter.add.f32 [tilespmem:s19], [sflag:$0x3], $0x80, s31, s16, $0xb8;
	[tilespmem:$0x1EC00] =	vst v63  }
0x89: {  	_ =	swait.ge [sflag:s14], $0x4000  }
0x8a: {  	s24 =	simm.s32 $0x400;
	[sflag:s14] =	ssyncset.done $0x0  }
.LBB2_8:
0x8b: {  	p0 =	sne.s32 s24, $0x4800  }
0x8c: {  	[sflag:s14] =	ssyncadd.s32 $0xFFFFC000;
	s25 =	smov.u32 s24;
	s24 =	sadd.s32 $0x400, s24  }
0x8d: {  	_ = 	snop  }
0x8e: {  	_ =	swait.ge [sflag:s18], $0x4000  }
0x8f: {  	s25 =	sshra.s32 s25, $0x2;
	[sflag:s18] =	ssyncset.done $0x0  }
0x90: {  	s26 =	sadd.s32 $0x80, s25;
	[sflag:s18] =	ssyncadd.s32 $0xFFFFC000  }
0x91: {  	[tilespmem:s19], [sflag:$0x2] =	stream.indirect.gather [hbm4b:s0+s16], $0x80, s26, s16, $0xb8;
	[tilespmem:$0x1EC00] =	vst v63  }
0x92: {  	s26 =	sadd.s32 $0x1400, s25  }
0x93: {  	[spmem:s3] =	stream.indirect.scatter.add.f32 [tilespmem:s17], [sflag:$0x3], $0x80, s26, s16, $0xb8;
	[tilespmem:$0x1EC00] =	vst v63  }
0x94: {  	_ =	swait.ge [sflag:s14], $0x4000  }
0x95: {  	[sflag:s14] =	ssyncset.done $0x0  }
0x96: {  	[sflag:s14] =	ssyncadd.s32 $0xFFFFC000  }
0x97: {  	_ =	swait.ge [sflag:s20], $0x4000  }
0x98: {  	[sflag:s20] =	ssyncset.done $0x0  }
0x99: {  	s26 =	sadd.s32 $0x100, s25;
	[sflag:s20] =	ssyncadd.s32 $0xFFFFC000  }
0x9a: {  	[tilespmem:s17], [sflag:$0x1] =	stream.indirect.gather [hbm4b:s0+s16], $0x80, s26, s16, $0xb8;
	[tilespmem:$0x1EC00] =	vst v63  }
.Ltmp3:
0x9b: {  	_ = 	snop;
	(pc) =	sbr.rel @p0 .LBB2_8-.Ltmp3, $4  }
0x9c: {  	s25 =	sadd.s32 $0x1480, s25  }
0x9d: {  	[spmem:s3] =	stream.indirect.scatter.add.f32 [tilespmem:s19], [sflag:$0x3], $0x80, s25, s16, $0xb8;
	[tilespmem:$0x1EC00] =	vst v63  }
0x9e: {  	_ =	swait.ge [sflag:s14], $0x4000  }
0x9f: {  	[sflag:s14] =	ssyncset.done $0x0  }
0xa0: {  	[sflag:s14] =	ssyncadd.s32 $0xFFFFC000  }
0xa1: {  	_ =	swait.ge [sflag:s18], $0x4000  }
0xa2: {  	[sflag:s18] =	ssyncset.done $0x0  }
0xa3: {  	[sflag:s18] =	ssyncadd.s32 $0xFFFFC000  }
0xa4: {  	[tilespmem:s19], [sflag:$0x2] =	stream.indirect.gather [hbm4b:s0+s16], $0x80, s21, s16, $0xb8;
	[tilespmem:$0x1EC00] =	vst v63  }
0xa5: {  	_ = 	snop  }
0xa6: {  	[spmem:s3] =	stream.indirect.scatter.add.f32 [tilespmem:s17], [sflag:$0x3], $0x80, s22, s16, $0xb8;
	[tilespmem:$0x1EC00] =	vst v63  }
0xa7: {  	_ =	swait.ge [sflag:s14], $0x4000  }
0xa8: {  	[sflag:s14] =	ssyncset.done $0x0  }
0xa9: {  	[sflag:s14] =	ssyncadd.s32 $0xFFFFC000  }
0xaa: {  	_ =	swait.ge [sflag:s20], $0x4000  }
0xab: {  	[sflag:s20] =	ssyncset.done $0x0  }
0xac: {  	[sflag:s20] =	ssyncadd.s32 $0xFFFFC000  }
0xad: {  	[spmem:s3] =	stream.indirect.scatter.add.f32 [tilespmem:s19], [sflag:$0x3], $0x80, s23, s16, $0xb8;
	[tilespmem:$0x1EC00] =	vst v63  }
0xae: {  	_ =	swait.ge [sflag:s14], $0x4000  }
0xaf: {  	s24 =	sshll.u32 s2, $0x6;
	s4 =	sadd.s32 $0x1, s4;
	[sflag:s14] =	ssyncset.done $0x0  }
0xb0: {  	s25 =	sshrl.u32 s5, $0x3;
	p0 =	sne.s32 s4, s8;
	[sflag:s14] =	ssyncadd.s32 $0xFFFFC000  }
.Ltmp4:
0xb1: {  	s24 =	sor.u32 $0x1C03, s24;
	[bflag:$0x0] =	sbarrier.arrive $0xFFFF;
	(pc) =	sbr.rel @p0 .LBB2_1-.Ltmp4, $4  }
0xb2: {  	[hbm:s7], [sflag:s24] =	dma.local [spmem:s25], $0x2780  }
0xb3: {  	_ =	swait.ge [sflag:s14], $0x2780  }
0xb4: {  	[sflag:s14] =	ssyncset.done $0x0  }
0xb5: {  	[sflag:s14] =	ssyncadd.s32 $0xFFFFD880  }
0xb6: {  	_ =	sfence.sel $0x180000  }
0xb7: {  	[bflag:$0x0] =	sbarrier.arrive $0xFFFF  }
0xb8: {  	p0 =	sne.s32 s2, $0x0;
	_ =	strace $0x90000047  }
0xb9: {  	s0 =	sadd.s32 @!p0 $0x100000, s1;
	[bflag:$0x2] =	sbarrier.arrive $0xFFFF  }
0xba: {  	[sflag:s0] =	ssyncadd.tile.s32 @!p0 $0x1;
	_ =	shalt  }
.Lfunc_end2:
_tile_overlayer_lowered:
.L_overlay_start_2:
0xbb: {  	(tag) =	ssettag $0x2  }
0xbc: {  	s0 =	rddreg [dreg:$0x0];
	s2 =	stileid.u32  }
0xbd: {  	s1 =	rddreg [dreg:$0x1];
	p0 =	sne.s32 s2, $0x0  }
0xbe: {  	s3 =	rddreg [dreg:$0x2];
	[bflag:$0x3] =	sbarrier.arrive $0xFFFF;
	s2 =	simm.s32 @!p0 $0x1C03  }
0xbf: {  	[timem:s3], [sflag:s2] =	dma.local @!p0 [hbm:s0], s1  }
0xc0: {  	s0 =	simm.s32 @!p0 $0x3  }
0xc1: {  	_ =	swait.ge @!p0 [sflag:s0], s1  }
0xc2: {  	s1 =	ssub.s32 @!p0 $0x0, s1;
	[sflag:s0] =	ssyncset.done @!p0 $0x0  }
0xc3: {  	[sflag:s0] =	ssyncadd.s32 @!p0 s1  }
0xc4: {  	[bflag:$0x3] =	sbarrier.arrive $0xFFFF  }
0xc5: {  	_ =	shalt  }

// kernel: kernel.13.cloned.1.call-start
scs
__scs_entry_jumppad:
0x0: {  	(pc) =	sbr.rel $0x88, $3  }
0x1: {  	(tag) =	ssettag $0x0;
	lr =	simm.s32 $0x1  }
0x2: {  	[smem:$0x3F95] =	sst lr;
	_ =	strace $0xD0000000  }
0x3: {  	_ = 	snop  }
0x4: {  	_ = 	snop  }
0x5: {  	_ = 	snop  }
0x6: {  	_ = 	snop  }
0x7: {  	_ = 	snop  }
__scs_overlays_trampoline_lowered:
0x8: {  	[smem:$0x3FA4] =	sst s0  }
0x9: {  	[smem:$0x3FA5] =	sst s1  }
0xa: {  	[smem:$0x3FA6] =	sst s2  }
0xb: {  	[smem:$0x3FA7] =	sst s3  }
0xc: {  	[smem:$0x3FA8] =	sst s4  }
0xd: {  	[smem:$0x3FA9] =	sst s5  }
0xe: {  	[smem:$0x3FAA] =	sst s6  }
0xf: {  	[smem:$0x3FAB] =	sst s7  }
0x10: {  	[smem:$0x3FAC] =	sst s8  }
0x11: {  	[smem:$0x3FAD] =	sst s9;
	s0 =	simm.s32 @!p0 $0x0  }
0x12: {  	s1 =	sld [smem:$0x3F93];
	s0 =	simm.s32 @p0 $0x1  }
0x13: {  	[smem:$0x3FAE] =	sst s0;
	s0 =	simm.s32 @!p1 $0x0  }
0x14: {  	s2 =	sld [smem:$0x3F92];
	s0 =	simm.s32 @p1 $0x1  }
0x15: {  	[smem:$0x3FAF] =	sst s0;
	s0 =	simm.s32 @!p2 $0x0  }
0x16: {  	s3 =	sld [smem:$0x3FDB];
	s0 =	simm.s32 @p2 $0x1  }
0x17: {  	s4 =	simm.s32 $0x1BF5;
	[smem:$0x3FB1] =	sst s0  }
0x18: {  	s0 =	sld [smem:$0x3F94];
	_ =	swait.ge [sflag:s4], $0x0  }
0x19: {  	s7 =	sld [smem:$0x3F95]  }
0x1a: {  	s8 =	sadd.s32 $0xFFFFE003, lr  }
0x1b: {  	s9 =	sadd.s32 $0xFFFFFEF7, lr;
	s5 =	simm.s32 $0xFFFFFFFF;
	p2 =	slt.u32 s8, $0xFFFFF086  }
0x1c: {  	p1 =	slt.u32 s9, $0xF7A;
	s5 =	simm.s32 @!p2 $0x0  }
0x1d: {  	s5 =	simm.s32 @p1 $0x1;
	p0 =	seq.s32 s7, s2  }
0x1e: {  	s7 =	smul.u32 @!p0 $0xF7A, s2;
	p2 =	seq.s32 @!p0 s5, $0x0  }
0x1f: {  	s9 =	smul.u32 $0xF7A, s1;
	s8 =	simm.s32 @!p0 $0x1BF5;
	p2 =	por !p2, p0  }
0x20: {  	[sflag:s8] =	ssyncset.s32 @!p0 $0xFFFFF086;
	s6 =	sadd.s32 @!p0 s3, s7;
	s7 =	simm.s32 @!p0 $0x108  }
0x21: {  	s3 =	sadd.s32 s3, s9;
	s6 =	sadd.s32 @!p0 $0x88, s6;
	s7 =	simm.s32 @p2 $0x1082  }
0x22: {  	[simem:s7], [sflag:s8] =	dma.local @!p0 [hbm:s6], $0xF7A  }
0x23: {  	s9 =	sor.u32 $0xD0000000, s2;
	s6 =	simm.s32 $0x108;
	_ =	swait.ge @!p0 [sflag:s8], $0x0  }
0x24: {  	s3 =	sadd.s32 $0x88, s3;
	s6 =	simm.s32 @!p1 $0x1082;
	[sflag:s4] =	ssyncset.s32 $0xFFFFF086  }
0x25: {  	[simem:s6], [sflag:s4] =	dma.local [hbm:s3], $0xF7A  }
0x26: {  	[smem:$0x3F95] =	sst s1;
	(tag) =	ssettag s2;
	_ =	strace s9  }
0x27: {  	s1 =	sld [smem:$0x3FA5]  }
0x28: {  	s2 =	sld [smem:$0x3FA6]  }
0x29: {  	s4 =	sld [smem:$0x3FA8]  }
0x2a: {  	p0 =	seq.s32 s5, $0x0;
	s5 =	sld [smem:$0x3FA9]  }
0x2b: {  	s6 =	sld [smem:$0x3FAA]  }
0x2c: {  	s7 =	sld [smem:$0x3FAB]  }
0x2d: {  	s3 =	simm.s32 $0x108;
	s8 =	sld [smem:$0x3FAC]  }
0x2e: {  	s3 =	simm.s32 @!p0 $0x1082;
	s9 =	sld [smem:$0x3FAD]  }
0x2f: {  	lr =	sadd.s32 s0, s3;
	s0 =	sld [smem:$0x3FA4]  }
0x30: {  	s3 =	sld [smem:$0x3FA7]  }
0x31: {  	[smem:$0x3FB0] =	sst s10  }
0x32: {  	s10 =	sld [smem:$0x3FAE];
	_ =	sdelay $0x3  }
0x33: {  	p0 =	seq.s32 s10, $0x1;
	s10 =	sld [smem:$0x3FB0];
	_ =	sdelay $0x3  }
0x34: {  	[smem:$0x3FB0] =	sst s10  }
0x35: {  	s10 =	sld [smem:$0x3FAF];
	_ =	sdelay $0x3  }
0x36: {  	p1 =	seq.s32 s10, $0x1;
	s10 =	sld [smem:$0x3FB0];
	_ =	sdelay $0x3  }
0x37: {  	[smem:$0x3FB0] =	sst s10  }
0x38: {  	s10 =	sld [smem:$0x3FB1]  }
0x39: {  	_ = 	snop;
	(pc) =	sbr.ind lr, $3  }
0x3a: {  	_ = 	snop  }
0x3b: {  	_ = 	snop  }
0x3c: {  	p2 =	seq.s32 s10, $0x1;
	s10 =	sld [smem:$0x3FB0]  }
0x3d: {  	_ =	shalt  }
0x3e: {  	_ =	shalt  }
0x3f: {  	_ =	shalt  }
0x40: {  	_ =	shalt  }
0x41: {  	_ =	shalt  }
0x42: {  	_ =	shalt  }
0x43: {  	_ =	shalt  }
0x44: {  	_ =	shalt  }
0x45: {  	_ =	shalt  }
0x46: {  	_ =	shalt  }
0x47: {  	_ =	shalt  }
0x48: {  	_ =	shalt  }
0x49: {  	_ =	shalt  }
0x4a: {  	_ =	shalt  }
0x4b: {  	_ =	shalt  }
0x4c: {  	_ =	shalt  }
0x4d: {  	_ =	shalt  }
0x4e: {  	_ =	shalt  }
0x4f: {  	_ =	shalt  }
0x50: {  	_ =	shalt  }
0x51: {  	_ =	shalt  }
0x52: {  	_ =	shalt  }
0x53: {  	_ =	shalt  }
0x54: {  	_ =	shalt  }
0x55: {  	_ =	shalt  }
0x56: {  	_ =	shalt  }
0x57: {  	_ =	shalt  }
0x58: {  	_ =	shalt  }
0x59: {  	_ =	shalt  }
0x5a: {  	_ =	shalt  }
0x5b: {  	_ =	shalt  }
0x5c: {  	_ =	shalt  }
0x5d: {  	_ =	shalt  }
0x5e: {  	_ =	shalt  }
0x5f: {  	_ =	shalt  }
0x60: {  	_ =	shalt  }
0x61: {  	_ =	shalt  }
0x62: {  	_ =	shalt  }
0x63: {  	_ =	shalt  }
0x64: {  	_ =	shalt  }
0x65: {  	_ =	shalt  }
0x66: {  	_ =	shalt  }
0x67: {  	_ =	shalt  }
0x68: {  	_ =	shalt  }
0x69: {  	_ =	shalt  }
0x6a: {  	_ =	shalt  }
0x6b: {  	_ =	shalt  }
0x6c: {  	_ =	shalt  }
0x6d: {  	_ =	shalt  }
0x6e: {  	_ =	shalt  }
0x6f: {  	_ =	shalt  }
0x70: {  	_ =	shalt  }
0x71: {  	_ =	shalt  }
0x72: {  	_ =	shalt  }
0x73: {  	_ =	shalt  }
0x74: {  	_ =	shalt  }
0x75: {  	_ =	shalt  }
0x76: {  	_ =	shalt  }
0x77: {  	_ =	shalt  }
0x78: {  	_ =	shalt  }
0x79: {  	_ =	shalt  }
0x7a: {  	_ =	shalt  }
0x7b: {  	_ =	shalt  }
0x7c: {  	_ =	shalt  }
0x7d: {  	_ =	shalt  }
0x7e: {  	_ =	shalt  }
0x7f: {  	_ =	shalt  }
0x80: {  	_ =	shalt  }
0x81: {  	_ =	shalt  }
0x82: {  	_ =	shalt  }
0x83: {  	_ =	shalt  }
0x84: {  	_ =	shalt  }
0x85: {  	_ =	shalt  }
0x86: {  	_ =	shalt  }
0x87: {  	_ =	shalt  }
.Lfunc_end0:
.L_simem_size_0:
called_computation.2_lowered:
.L_overlay_start_0:
0x88: {  	s2 =	sld [smem:$0x3FD9]  }
0x89: {  	s3 =	sld [smem:$0x3FFE];
	_ =	sdelay $0x1  }
0x8a: {  	s1 =	srdreg.scid  }
0x8b: {  	s0 =	sand.u32 $0x1, s1  }
0x8c: {  	s17 =	sshll.u32 s0, $0xA;
	s2 =	sadd.s32 s3, s2  }
0x8d: {  	s2 =	sadd.s32 s2, s17  }
0x8e: {  	[smem:$0x3FBC] =	sst s2  }
0x8f: {  	_ = 	snop  }
0x90: {  	s2 =	sld [smem:$0x3FD0];
	(tm) =	ssettm $0x1  }
0x91: {  	s18 =	sld [smem:$0x3FFB];
	_ =	sdelay $0x3  }
0x92: {  	_ =	strace s18  }
0x93: {  	s3 =	sld [smem:$0x3FFC];
	_ =	sdelay $0x3  }
0x94: {  	_ =	strace s3  }
0x95: {  	s3 =	sld [smem:$0x3FFD];
	_ =	sdelay $0x3  }
0x96: {  	_ =	strace s3  }
0x97: {  	_ =	strace $0x8FFFFFFF  }
0x98: {  	s19 =	sld [smem:$0x3FDB];
	_ =	sdelay $0x1  }
0x99: {  	s4 =	simm.s32 $_scs_section_size  }
0x9a: {  	s5 =	simm.s32 $_size__tile_overlayer_lowered;
	s6 =	simm.s32 $_tile_overlayer_lowered  }
0x9b: {  	s22 =	simm.s32 $0x1BFF;
	s21 =	sshll.u32 s6, $0x1;
	s3 =	sadd.s32 s4, s19  }
0x9c: {  	s7 =	simm.s32 $0x0;
	s20 =	sshll.u32 s5, $0x1;
	s5 =	sadd.s32 s21, s3  }
0x9d: {  	[timem:s7], [sflag:s22] =	dma.local [hbm:s5], s20  }
0x9e: {  	_ =	swait.ge [sflag:s22], s20  }
0x9f: {  	s4 =	ssub.s32 $0x0, s20;
	[sflag:s22] =	ssyncset.done $0x0  }
0xa0: {  	[sflag:s22] =	ssyncadd.s32 s4;
	_ =	sdelay $0x1  }
0xa1: {  	s23 =	simm.s32 $0x1B8B  }
0xa2: {  	_ =	swait.ge [sflag:s23], $0x1  }
0xa3: {  	[sflag:s23] =	ssyncset.done $0x0  }
0xa4: {  	s25 =	simm.s32 $0x1B8E;
	s24 =	sld [smem:$0x3FFE];
	[sflag:s23] =	ssyncadd.s32 $0xFFFFFFFF  }
0xa5: {  	s26 =	simm.s32 $execute0_lowered;
	[smem:$0x3FD2] =	sst s25  }
0xa6: {  	s5 =	sshll.u32 s26, $0x1;
	_ =	strace $0x8000004C;
	[dreg:$0x1] =	wrdreg $0xFFFFFFFF  }
0xa7: {  	s28 =	simm.s32 $_size_execute0_lowered;
	s3 =	sadd.s32 s3, s5;
	[dreg:$0x0] =	wrdreg $0x0  }
0xa8: {  	s5 =	sshll.u32 s28, $0x1;
	[dreg:$0x2] =	wrdreg s3  }
0xa9: {  	[dreg:$0x3] =	wrdreg s5  }
0xaa: {  	[dreg:$0x4] =	wrdreg $0xC0  }
0xab: {  	_ =	task [dreg:s7], $0x5FFFF  }
0xac: {  	[dreg:$0x1] =	wrdreg $0xFFFFFFFF  }
0xad: {  	[dreg:$0x0] =	wrdreg $0x60  }
0xae: {  	[dreg:$0x2] =	wrdreg s24  }
0xaf: {  	[dreg:$0x3] =	wrdreg s2  }
0xb0: {  	[dreg:$0x4] =	wrdreg $0xA8000  }
0xb1: {  	[dreg:$0x5] =	wrdreg $0x9  }
0xb2: {  	_ =	task.clear_ibuf [dreg:s7], $0x6FFFF;
	_ =	strace $0x9000004C  }
0xb3: {  	s29 =	simm.s32 $0x9;
	_ =	strace $0x8000004E  }
0xb4: {  	_ =	swait.ge [sflag:s29], $0x1  }
0xb5: {  	[sflag:s29] =	ssyncadd.s32 $0xFFFFFFFF  }
0xb6: {  	_ =	strace $0x9000004E  }
0xb7: {  	_ =	sfence  }
0xb8: {  	s30 =	sld [smem:$0x0];
	_ =	sdelay $0x2  }
0xb9: {  	s31 =	sshll.u32 s1, $0xD;
	s1 =	sshrl.u32 s1, $0x2  }
0xba: {  	s3 =	sand.u32 $0x4000, s31;
	s1 =	sadd.s32 s1, s30  }
0xbb: {  	s0 =	sor.u32 s3, s0;
	s1 =	sshll.u32 s1, $0x11  }
0xbc: {  	s0 =	sor.u32 s1, s0  }
0xbd: {  	s0 =	sadd.s32 $0x8F2B, s0  }
0xbe: {  	[sflag:s0] =	ssyncadd.remote.s32 $0x1  }
0xbf: {  	_ =	sfence.sel $0xFFFF  }
0xc0: {  	[dreg:$0x0] =	wrdreg $0xFFFFFFFF;
	(pc) =	sbr.abs _section_cstart, $3  }
0xc1: {  	[dreg:$0x1] =	wrdreg $0xFFFFFFFF  }
0xc2: {  	_ =	task.clear_ibuf [dreg:s7], $0x2FFFF;
	_ =	strace $0x9FFFFFFF  }
0xc3: {  	(tm) =	ssettm $0x7FFFFFFF  }
tec
execute0_lowered:
.L_overlay_start_1:
0x0: {  	(tag) =	ssettag $0x1  }
0x1: {  	s7 =	rddreg [dreg:$0x0]  }
0x2: {  	s1 =	rddreg [dreg:$0x1]  }
0x3: {  	s2 =	rddreg [dreg:$0x2]  }
0x4: {  	s3 =	srdreg.scid;
	s0 =	rddreg [dreg:$0x3];
	s4 =	simm.s32 $0x0  }
0x5: {  	s14 =	simm.s32 $0x3;
	s15 =	simm.s32 $0x1000;
	s16 =	simm.s32 $0x80  }
0x6: {  	s17 =	simm.s32 $0x2000;
	s18 =	simm.s32 $0x1;
	s19 =	simm.s32 $0x6000  }
0x7: {  	s20 =	simm.s32 $0x2;
	s21 =	simm.s32 $0xF80;
	s10 =	sand.u32 $0x1, s3  }
0x8: {  	s22 =	simm.s32 $0x1F00;
	s3 =	stileid.u32;
	s6 =	smul.u32 $0x13C000, s10  }
0x9: {  	s23 =	simm.s32 $0x1F80;
	[smem:$0x7FF] =	sst s4;
	s8 =	smul.u32 $0x13C00, s3  }
0xa: {  	s5 =	sadd.s32 $0xBE600, s7;
	_ =	strace $0x8000004D;
	s9 =	smul.u32 $0x4F000, s3  }
0xb: {  	s11 =	ssub.s32 $0x2, s10;
	s10 =	smul.u32 $0x50000, s10;
	s8 =	sadd.s32 s8, s6  }
0xc: {  	s30 =	sshrl.u32 s11, $0x1;
	s31 =	sshrl.u32 s9, $0x2;
	s8 =	sshrl.u32 s8, $0x3  }
0xd: {  	s6 =	sadd.s32 $0xAA600, s7;
	s12 =	sadd.s32 s8, s7;
	s7 =	sadd.s32 s31, s2  }
0xe: {  	s13 =	ssub.s32 s11, s30;
	s8 =	smul.u32 $0x5000, s3;
	s9 =	sadd.s32 $0x13800, s7  }
0xf: {  	v0 =	vimm.f32 $0.0e+00;
	s11 =	sadd.s32 $0x2600, s12;
	s12 =	smax.u32 s13, $0x1;
	s13 =	simm.s32 $0xA000  }
.LBB2_1:
0x10: {  	s24 =	simm.s32 $0x0;
	s25 =	simm.s32 $0x200  }
.LBB2_2:
0x11: {  	p0 =	sne.s32 s25, $0x1E00;
	[tilespmem:s24+$0xA070] =	vst v0  }
0x12: {  	[tilespmem:s24+$0xA000] =	vst v0  }
0x13: {  	[tilespmem:s24+$0xA010] =	vst v0  }
.Ltmp0:
0x14: {  	[tilespmem:s24+$0xA020] =	vst v0;
	(pc) =	sbr.rel @p0 .LBB2_2-.Ltmp0, $4  }
0x15: {  	[tilespmem:s24+$0xA030] =	vst v0  }
0x16: {  	[tilespmem:s24+$0xA040] =	vst v0  }
0x17: {  	[tilespmem:s24+$0xA050] =	vst v0  }
0x18: {  	[tilespmem:s24+$0xA060] =	vst v0;
	s24 =	sshra.s32 s25, $0x2;
	s25 =	sadd.s32 $0x200, s25  }
0x19: {  	[tilespmem:s24+$0xA070] =	vst v0  }
0x1a: {  	[tilespmem:s24+$0xA000] =	vst v0  }
0x1b: {  	[tilespmem:s24+$0xA010] =	vst v0  }
0x1c: {  	[tilespmem:s24+$0xA020] =	vst v0  }
0x1d: {  	[tilespmem:s24+$0xA030] =	vst v0  }
0x1e: {  	[tilespmem:s24+$0xA040] =	vst v0  }
0x1f: {  	[tilespmem:s24+$0xA050] =	vst v0  }
0x20: {  	[tilespmem:s24+$0xA060] =	vst v0;
	s31 =	sadd.s32 $0x0, s7  }
0x21: {  	[spmem:s31] =	stream.linear.scatter [tilespmem:s13], [sflag:$0x3], $0x800, $0x38;
	[tilespmem:$0x1E400] =	vst v63  }
0x22: {  	s24 =	simm.s32 $0x2000;
	_ =	swait.ge [sflag:s14], $0x800  }
.LBB2_4:
0x23: {  	s25 =	sshra.s32 s24, $0x2;
	[sflag:s14] =	ssyncset.done $0x0;
	p0 =	sne.s32 s24, $0x4C000  }
.Ltmp1:
0x24: {  	s25 =	sadd.s32 s25, s7;
	[sflag:s14] =	ssyncadd.s32 $0xFFFFF800;
	(pc) =	sbr.rel @p0 .LBB2_4-.Ltmp1, $3  }
0x25: {  	[spmem:s25] =	stream.linear.scatter [tilespmem:s13], [sflag:$0x3], $0x800, $0x38;
	[tilespmem:$0x1E400] =	vst v63  }
0x26: {  	s24 =	sadd.s32 $0x2000, s24;
	_ =	sdelay $0x1  }
0x27: {  	_ =	swait.ge [sflag:s14], $0x800  }
0x28: {  	[sflag:s14] =	ssyncset.done $0x0  }
0x29: {  	[sflag:s14] =	ssyncadd.s32 $0xFFFFF800  }
0x2a: {  	[spmem:s9] =	stream.linear.scatter [tilespmem:s13], [sflag:$0x3], $0x400, $0x38;
	[tilespmem:$0x1E400] =	vst v63  }
0x2b: {  	_ =	swait.ge [sflag:s14], $0x400  }
0x2c: {  	[sflag:s14] =	ssyncset.done $0x0  }
0x2d: {  	[sflag:s14] =	ssyncadd.s32 $0xFFFFFC00  }
0x2e: {  	s24 =	simm.s32 $0x0;
	s25 =	simm.s32 $0x0;
	[bflag:$0x0] =	sbarrier.arrive $0xFFFF  }
.LBB2_6:
0x2f: {  	s26 =	sshll.u32 s25, $0xC  }
0x30: {  	s26 =	sadd.s32 s8, s26  }
0x31: {  	s28 =	sadd.s32 s10, s26  }
0x32: {  	s28 =	sshrl.u32 s28, $0x3  }
0x33: {  	s28 =	sadd.s32 s6, s28  }
0x34: {  	[tilespmem:s24], [sflag:$0x3] =	stream.linear.gather [hbm4b:s28+s24], $0x1000, $0x38;
	[tilespmem:$0x1E400] =	vst v63  }
0x35: {  	_ =	swait.ge [sflag:s14], $0x1000  }
0x36: {  	s26 =	sshrl.u32 s26, $0x3;
	[sflag:s14] =	ssyncset.done $0x0  }
0x37: {  	s26 =	sadd.s32 s1, s26;
	[sflag:s14] =	ssyncadd.s32 $0xFFFFF000  }
0x38: {  	[tilespmem:s15], [sflag:$0x3] =	stream.linear.gather [hbm4b:s26+s24], $0x1000, $0x38;
	[tilespmem:$0x1E400] =	vst v63  }
0x39: {  	_ =	swait.ge [sflag:s14], $0x1000  }
0x3a: {  	[sflag:s14] =	ssyncset.done $0x0  }
0x3b: {  	[sflag:s14] =	ssyncadd.s32 $0xFFFFF000  }
0x3c: {  	[tilespmem:s17], [sflag:$0x1] =	stream.indirect.gather [hbm4b:s5+s16], $0x80, s24, s16, $0xb8;
	[tilespmem:$0x1E400] =	vst v63  }
0x3d: {  	_ =	swait.ge [sflag:s18], $0x4000  }
0x3e: {  	[sflag:s18] =	ssyncset.done $0x0  }
0x3f: {  	s28 =	simm.s32 $0x80;
	[sflag:s18] =	ssyncadd.s32 $0xFFFFC000  }
0x40: {  	[tilespmem:s19], [sflag:$0x2] =	stream.indirect.gather [hbm4b:s5+s16], $0x80, s28, s16, $0xb8;
	[tilespmem:$0x1E400] =	vst v63  }
0x41: {  	s29 =	simm.s32 $0x1000  }
0x42: {  	[spmem:s2] =	stream.indirect.scatter.add.f32 [tilespmem:s17], [sflag:$0x3], $0x80, s29, s16, $0xb8;
	[tilespmem:$0x1E400] =	vst v63  }
0x43: {  	_ =	swait.ge [sflag:s14], $0x4000  }
0x44: {  	[sflag:s14] =	ssyncset.done $0x0  }
0x45: {  	[sflag:s14] =	ssyncadd.s32 $0xFFFFC000  }
0x46: {  	_ =	swait.ge [sflag:s20], $0x4000  }
0x47: {  	[sflag:s20] =	ssyncset.done $0x0  }
0x48: {  	s30 =	simm.s32 $0x100;
	[sflag:s20] =	ssyncadd.s32 $0xFFFFC000  }
0x49: {  	[tilespmem:s17], [sflag:$0x1] =	stream.indirect.gather [hbm4b:s5+s16], $0x80, s30, s16, $0xb8;
	[tilespmem:$0x1E400] =	vst v63  }
0x4a: {  	s31 =	simm.s32 $0x1080  }
0x4b: {  	[spmem:s2] =	stream.indirect.scatter.add.f32 [tilespmem:s19], [sflag:$0x3], $0x80, s31, s16, $0xb8;
	[tilespmem:$0x1E400] =	vst v63  }
0x4c: {  	_ =	swait.ge [sflag:s14], $0x4000  }
0x4d: {  	s26 =	simm.s32 $0x400;
	[sflag:s14] =	ssyncset.done $0x0  }
.LBB2_7:
0x4e: {  	p0 =	sne.s32 s26, $0x3800  }
0x4f: {  	[sflag:s14] =	ssyncadd.s32 $0xFFFFC000;
	s28 =	smov.u32 s26;
	s26 =	sadd.s32 $0x400, s26  }
0x50: {  	_ = 	snop  }
0x51: {  	_ =	swait.ge [sflag:s18], $0x4000  }
0x52: {  	s28 =	sshra.s32 s28, $0x2;
	[sflag:s18] =	ssyncset.done $0x0  }
0x53: {  	s29 =	sadd.s32 $0x80, s28;
	[sflag:s18] =	ssyncadd.s32 $0xFFFFC000  }
0x54: {  	[tilespmem:s19], [sflag:$0x2] =	stream.indirect.gather [hbm4b:s5+s16], $0x80, s29, s16, $0xb8;
	[tilespmem:$0x1E400] =	vst v63  }
0x55: {  	s29 =	sadd.s32 $0x1000, s28  }
0x56: {  	[spmem:s2] =	stream.indirect.scatter.add.f32 [tilespmem:s17], [sflag:$0x3], $0x80, s29, s16, $0xb8;
	[tilespmem:$0x1E400] =	vst v63  }
0x57: {  	_ =	swait.ge [sflag:s14], $0x4000  }
0x58: {  	[sflag:s14] =	ssyncset.done $0x0  }
0x59: {  	[sflag:s14] =	ssyncadd.s32 $0xFFFFC000  }
0x5a: {  	_ =	swait.ge [sflag:s20], $0x4000  }
0x5b: {  	[sflag:s20] =	ssyncset.done $0x0  }
0x5c: {  	s29 =	sadd.s32 $0x100, s28;
	[sflag:s20] =	ssyncadd.s32 $0xFFFFC000  }
0x5d: {  	[tilespmem:s17], [sflag:$0x1] =	stream.indirect.gather [hbm4b:s5+s16], $0x80, s29, s16, $0xb8;
	[tilespmem:$0x1E400] =	vst v63  }
.Ltmp2:
0x5e: {  	_ = 	snop;
	(pc) =	sbr.rel @p0 .LBB2_7-.Ltmp2, $4  }
0x5f: {  	s28 =	sadd.s32 $0x1080, s28  }
0x60: {  	[spmem:s2] =	stream.indirect.scatter.add.f32 [tilespmem:s19], [sflag:$0x3], $0x80, s28, s16, $0xb8;
	[tilespmem:$0x1E400] =	vst v63  }
0x61: {  	_ =	swait.ge [sflag:s14], $0x4000  }
0x62: {  	[sflag:s14] =	ssyncset.done $0x0  }
0x63: {  	[sflag:s14] =	ssyncadd.s32 $0xFFFFC000  }
0x64: {  	_ =	swait.ge [sflag:s18], $0x4000  }
0x65: {  	[sflag:s18] =	ssyncset.done $0x0  }
0x66: {  	[sflag:s18] =	ssyncadd.s32 $0xFFFFC000  }
0x67: {  	[tilespmem:s19], [sflag:$0x2] =	stream.indirect.gather [hbm4b:s5+s16], $0x80, s21, s16, $0xb8;
	[tilespmem:$0x1E400] =	vst v63  }
0x68: {  	_ = 	snop  }
0x69: {  	[spmem:s2] =	stream.indirect.scatter.add.f32 [tilespmem:s17], [sflag:$0x3], $0x80, s22, s16, $0xb8;
	[tilespmem:$0x1E400] =	vst v63  }
0x6a: {  	_ =	swait.ge [sflag:s14], $0x4000  }
0x6b: {  	[sflag:s14] =	ssyncset.done $0x0  }
0x6c: {  	[sflag:s14] =	ssyncadd.s32 $0xFFFFC000  }
0x6d: {  	s25 =	sadd.s32 $0x1, s25;
	_ =	swait.ge [sflag:s20], $0x4000  }
0x6e: {  	p0 =	sne.s32 s25, $0x5;
	[sflag:s20] =	ssyncset.done $0x0  }
.Ltmp3:
0x6f: {  	[sflag:s20] =	ssyncadd.s32 $0xFFFFC000;
	(pc) =	sbr.rel @p0 .LBB2_6-.Ltmp3, $4  }
0x70: {  	[spmem:s2] =	stream.indirect.scatter.add.f32 [tilespmem:s19], [sflag:$0x3], $0x80, s23, s16, $0xb8;
	[tilespmem:$0x1E400] =	vst v63  }
0x71: {  	_ =	swait.ge [sflag:s14], $0x4000  }
0x72: {  	[sflag:s14] =	ssyncset.done $0x0  }
0x73: {  	[sflag:s14] =	ssyncadd.s32 $0xFFFFC000  }
0x74: {  	s4 =	sadd.s32 $0x1, s4  }
0x75: {  	s24 =	sshll.u32 s3, $0x6;
	[bflag:$0x0] =	sbarrier.arrive $0xFFFF;
	p0 =	sne.s32 s4, s12  }
.Ltmp4:
0x76: {  	s25 =	sshrl.u32 s7, $0x3;
	s24 =	sor.u32 $0x1C03, s24;
	(pc) =	sbr.rel @p0 .LBB2_1-.Ltmp4, $4  }
0x77: {  	[hbm:s11], [sflag:s24] =	dma.local [spmem:s25], $0x2780  }
0x78: {  	_ =	swait.ge [sflag:s14], $0x2780  }
0x79: {  	[sflag:s14] =	ssyncset.done $0x0  }
0x7a: {  	[sflag:s14] =	ssyncadd.s32 $0xFFFFD880  }
0x7b: {  	_ =	sfence.sel $0x180000  }
0x7c: {  	[bflag:$0x0] =	sbarrier.arrive $0xFFFF  }
0x7d: {  	p0 =	sne.s32 s3, $0x0;
	_ =	strace $0x9000004D  }
0x7e: {  	s0 =	sadd.s32 @!p0 $0x100000, s0;
	[bflag:$0x2] =	sbarrier.arrive $0xFFFF  }
0x7f: {  	[sflag:s0] =	ssyncadd.tile.s32 @!p0 $0x1;
	_ =	shalt  }
.Lfunc_end2:
_tile_overlayer_lowered:
.L_overlay_start_2:
0x80: {  	(tag) =	ssettag $0x2  }
0x81: {  	s0 =	rddreg [dreg:$0x0];
	s2 =	stileid.u32  }
0x82: {  	s1 =	rddreg [dreg:$0x1];
	p0 =	sne.s32 s2, $0x0  }
0x83: {  	s3 =	rddreg [dreg:$0x2];
	[bflag:$0x3] =	sbarrier.arrive $0xFFFF;
	s2 =	simm.s32 @!p0 $0x1C03  }
0x84: {  	[timem:s3], [sflag:s2] =	dma.local @!p0 [hbm:s0], s1  }
0x85: {  	s0 =	simm.s32 @!p0 $0x3  }
0x86: {  	_ =	swait.ge @!p0 [sflag:s0], s1  }
0x87: {  	s1 =	ssub.s32 @!p0 $0x0, s1;
	[sflag:s0] =	ssyncset.done @!p0 $0x0  }
0x88: {  	[sflag:s0] =	ssyncadd.s32 @!p0 s1  }
0x89: {  	[bflag:$0x3] =	sbarrier.arrive $0xFFFF  }
0x8a: {  	_ =	shalt  }

// kernel: kernel.7.cloned.1.call-start
scs
__scs_entry_jumppad:
0x0: {  	(pc) =	sbr.rel $0x88, $3  }
0x1: {  	(tag) =	ssettag $0x0;
	lr =	simm.s32 $0x1  }
0x2: {  	[smem:$0x3F95] =	sst lr;
	_ =	strace $0xD0000000  }
0x3: {  	_ = 	snop  }
0x4: {  	_ = 	snop  }
0x5: {  	_ = 	snop  }
0x6: {  	_ = 	snop  }
0x7: {  	_ = 	snop  }
__scs_overlays_trampoline_lowered:
0x8: {  	[smem:$0x3FA4] =	sst s0  }
0x9: {  	[smem:$0x3FA5] =	sst s1  }
0xa: {  	[smem:$0x3FA6] =	sst s2  }
0xb: {  	[smem:$0x3FA7] =	sst s3  }
0xc: {  	[smem:$0x3FA8] =	sst s4  }
0xd: {  	[smem:$0x3FA9] =	sst s5  }
0xe: {  	[smem:$0x3FAA] =	sst s6  }
0xf: {  	[smem:$0x3FAB] =	sst s7  }
0x10: {  	[smem:$0x3FAC] =	sst s8  }
0x11: {  	[smem:$0x3FAD] =	sst s9;
	s0 =	simm.s32 @!p0 $0x0  }
0x12: {  	s1 =	sld [smem:$0x3F93];
	s0 =	simm.s32 @p0 $0x1  }
0x13: {  	[smem:$0x3FAE] =	sst s0;
	s0 =	simm.s32 @!p1 $0x0  }
0x14: {  	s2 =	sld [smem:$0x3F92];
	s0 =	simm.s32 @p1 $0x1  }
0x15: {  	[smem:$0x3FAF] =	sst s0;
	s0 =	simm.s32 @!p2 $0x0  }
0x16: {  	s3 =	sld [smem:$0x3FDB];
	s0 =	simm.s32 @p2 $0x1  }
0x17: {  	s4 =	simm.s32 $0x1BF5;
	[smem:$0x3FB1] =	sst s0  }
0x18: {  	s0 =	sld [smem:$0x3F94];
	_ =	swait.ge [sflag:s4], $0x0  }
0x19: {  	s7 =	sld [smem:$0x3F95]  }
0x1a: {  	s8 =	sadd.s32 $0xFFFFE003, lr  }
0x1b: {  	s9 =	sadd.s32 $0xFFFFFEF7, lr;
	s5 =	simm.s32 $0xFFFFFFFF;
	p2 =	slt.u32 s8, $0xFFFFF086  }
0x1c: {  	p1 =	slt.u32 s9, $0xF7A;
	s5 =	simm.s32 @!p2 $0x0  }
0x1d: {  	s5 =	simm.s32 @p1 $0x1;
	p0 =	seq.s32 s7, s2  }
0x1e: {  	s7 =	smul.u32 @!p0 $0xF7A, s2;
	p2 =	seq.s32 @!p0 s5, $0x0  }
0x1f: {  	s9 =	smul.u32 $0xF7A, s1;
	s8 =	simm.s32 @!p0 $0x1BF5;
	p2 =	por !p2, p0  }
0x20: {  	[sflag:s8] =	ssyncset.s32 @!p0 $0xFFFFF086;
	s6 =	sadd.s32 @!p0 s3, s7;
	s7 =	simm.s32 @!p0 $0x108  }
0x21: {  	s3 =	sadd.s32 s3, s9;
	s6 =	sadd.s32 @!p0 $0x88, s6;
	s7 =	simm.s32 @p2 $0x1082  }
0x22: {  	[simem:s7], [sflag:s8] =	dma.local @!p0 [hbm:s6], $0xF7A  }
0x23: {  	s9 =	sor.u32 $0xD0000000, s2;
	s6 =	simm.s32 $0x108;
	_ =	swait.ge @!p0 [sflag:s8], $0x0  }
0x24: {  	s3 =	sadd.s32 $0x88, s3;
	s6 =	simm.s32 @!p1 $0x1082;
	[sflag:s4] =	ssyncset.s32 $0xFFFFF086  }
0x25: {  	[simem:s6], [sflag:s4] =	dma.local [hbm:s3], $0xF7A  }
0x26: {  	[smem:$0x3F95] =	sst s1;
	(tag) =	ssettag s2;
	_ =	strace s9  }
0x27: {  	s1 =	sld [smem:$0x3FA5]  }
0x28: {  	s2 =	sld [smem:$0x3FA6]  }
0x29: {  	s4 =	sld [smem:$0x3FA8]  }
0x2a: {  	p0 =	seq.s32 s5, $0x0;
	s5 =	sld [smem:$0x3FA9]  }
0x2b: {  	s6 =	sld [smem:$0x3FAA]  }
0x2c: {  	s7 =	sld [smem:$0x3FAB]  }
0x2d: {  	s3 =	simm.s32 $0x108;
	s8 =	sld [smem:$0x3FAC]  }
0x2e: {  	s3 =	simm.s32 @!p0 $0x1082;
	s9 =	sld [smem:$0x3FAD]  }
0x2f: {  	lr =	sadd.s32 s0, s3;
	s0 =	sld [smem:$0x3FA4]  }
0x30: {  	s3 =	sld [smem:$0x3FA7]  }
0x31: {  	[smem:$0x3FB0] =	sst s10  }
0x32: {  	s10 =	sld [smem:$0x3FAE];
	_ =	sdelay $0x3  }
0x33: {  	p0 =	seq.s32 s10, $0x1;
	s10 =	sld [smem:$0x3FB0];
	_ =	sdelay $0x3  }
0x34: {  	[smem:$0x3FB0] =	sst s10  }
0x35: {  	s10 =	sld [smem:$0x3FAF];
	_ =	sdelay $0x3  }
0x36: {  	p1 =	seq.s32 s10, $0x1;
	s10 =	sld [smem:$0x3FB0];
	_ =	sdelay $0x3  }
0x37: {  	[smem:$0x3FB0] =	sst s10  }
0x38: {  	s10 =	sld [smem:$0x3FB1]  }
0x39: {  	_ = 	snop;
	(pc) =	sbr.ind lr, $3  }
0x3a: {  	_ = 	snop  }
0x3b: {  	_ = 	snop  }
0x3c: {  	p2 =	seq.s32 s10, $0x1;
	s10 =	sld [smem:$0x3FB0]  }
0x3d: {  	_ =	shalt  }
0x3e: {  	_ =	shalt  }
0x3f: {  	_ =	shalt  }
0x40: {  	_ =	shalt  }
0x41: {  	_ =	shalt  }
0x42: {  	_ =	shalt  }
0x43: {  	_ =	shalt  }
0x44: {  	_ =	shalt  }
0x45: {  	_ =	shalt  }
0x46: {  	_ =	shalt  }
0x47: {  	_ =	shalt  }
0x48: {  	_ =	shalt  }
0x49: {  	_ =	shalt  }
0x4a: {  	_ =	shalt  }
0x4b: {  	_ =	shalt  }
0x4c: {  	_ =	shalt  }
0x4d: {  	_ =	shalt  }
0x4e: {  	_ =	shalt  }
0x4f: {  	_ =	shalt  }
0x50: {  	_ =	shalt  }
0x51: {  	_ =	shalt  }
0x52: {  	_ =	shalt  }
0x53: {  	_ =	shalt  }
0x54: {  	_ =	shalt  }
0x55: {  	_ =	shalt  }
0x56: {  	_ =	shalt  }
0x57: {  	_ =	shalt  }
0x58: {  	_ =	shalt  }
0x59: {  	_ =	shalt  }
0x5a: {  	_ =	shalt  }
0x5b: {  	_ =	shalt  }
0x5c: {  	_ =	shalt  }
0x5d: {  	_ =	shalt  }
0x5e: {  	_ =	shalt  }
0x5f: {  	_ =	shalt  }
0x60: {  	_ =	shalt  }
0x61: {  	_ =	shalt  }
0x62: {  	_ =	shalt  }
0x63: {  	_ =	shalt  }
0x64: {  	_ =	shalt  }
0x65: {  	_ =	shalt  }
0x66: {  	_ =	shalt  }
0x67: {  	_ =	shalt  }
0x68: {  	_ =	shalt  }
0x69: {  	_ =	shalt  }
0x6a: {  	_ =	shalt  }
0x6b: {  	_ =	shalt  }
0x6c: {  	_ =	shalt  }
0x6d: {  	_ =	shalt  }
0x6e: {  	_ =	shalt  }
0x6f: {  	_ =	shalt  }
0x70: {  	_ =	shalt  }
0x71: {  	_ =	shalt  }
0x72: {  	_ =	shalt  }
0x73: {  	_ =	shalt  }
0x74: {  	_ =	shalt  }
0x75: {  	_ =	shalt  }
0x76: {  	_ =	shalt  }
0x77: {  	_ =	shalt  }
0x78: {  	_ =	shalt  }
0x79: {  	_ =	shalt  }
0x7a: {  	_ =	shalt  }
0x7b: {  	_ =	shalt  }
0x7c: {  	_ =	shalt  }
0x7d: {  	_ =	shalt  }
0x7e: {  	_ =	shalt  }
0x7f: {  	_ =	shalt  }
0x80: {  	_ =	shalt  }
0x81: {  	_ =	shalt  }
0x82: {  	_ =	shalt  }
0x83: {  	_ =	shalt  }
0x84: {  	_ =	shalt  }
0x85: {  	_ =	shalt  }
0x86: {  	_ =	shalt  }
0x87: {  	_ =	shalt  }
.Lfunc_end0:
.L_simem_size_0:
called_computation_lowered:
.L_overlay_start_0:
0x88: {  	s2 =	sld [smem:$0x3FD9]  }
0x89: {  	s3 =	sld [smem:$0x3FFE];
	_ =	sdelay $0x1  }
0x8a: {  	s1 =	srdreg.scid  }
0x8b: {  	s0 =	sand.u32 $0x1, s1  }
0x8c: {  	s17 =	sshll.u32 s0, $0xA;
	s2 =	sadd.s32 s3, s2  }
0x8d: {  	s2 =	sadd.s32 s2, s17  }
0x8e: {  	[smem:$0x3FBC] =	sst s2  }
0x8f: {  	_ = 	snop  }
0x90: {  	s18 =	sld [smem:$0x3FD0];
	(tm) =	ssettm $0x1  }
0x91: {  	s19 =	sld [smem:$0x3FFB];
	_ =	sdelay $0x3  }
0x92: {  	_ =	strace s19  }
0x93: {  	s2 =	sld [smem:$0x3FFC];
	_ =	sdelay $0x3  }
0x94: {  	_ =	strace s2  }
0x95: {  	s2 =	sld [smem:$0x3FFD];
	_ =	sdelay $0x3  }
0x96: {  	_ =	strace s2  }
0x97: {  	_ =	strace $0x8FFFFFFF  }
0x98: {  	s20 =	sld [smem:$0x3FDB];
	_ =	sdelay $0x1  }
0x99: {  	s4 =	simm.s32 $_scs_section_size  }
0x9a: {  	s5 =	simm.s32 $_size__tile_overlayer_lowered;
	s6 =	simm.s32 $_tile_overlayer_lowered  }
0x9b: {  	s7 =	simm.s32 $0x1BFF;
	s21 =	sshll.u32 s6, $0x1;
	s4 =	sadd.s32 s4, s20  }
0x9c: {  	s22 =	simm.s32 $0x0;
	s5 =	sshll.u32 s5, $0x1;
	s6 =	sadd.s32 s21, s4  }
0x9d: {  	[timem:s22], [sflag:s7] =	dma.local [hbm:s6], s5  }
0x9e: {  	_ =	swait.ge [sflag:s7], s5  }
0x9f: {  	s5 =	ssub.s32 $0x0, s5;
	[sflag:s7] =	ssyncset.done $0x0  }
0xa0: {  	[sflag:s7] =	ssyncadd.s32 s5;
	_ =	sdelay $0x1  }
0xa1: {  	s23 =	simm.s32 $0x1B8B  }
0xa2: {  	_ =	swait.ge [sflag:s23], $0x1  }
0xa3: {  	[sflag:s23] =	ssyncset.done $0x0  }
0xa4: {  	[sflag:s23] =	ssyncadd.s32 $0xFFFFFFFF  }
0xa5: {  	s5 =	sld [smem:$0x0]  }
0xa6: {  	s6 =	sand.u32 $0xFFFFFFFE, s1  }
0xa7: {  	p0 =	sne.s32 s1, s6  }
0xa8: {  	s6 =	sshll.u32 @p0 s6, $0xE  }
0xa9: {  	s6 =	sadd.s32 @p0 $0x11B8D, s6;
	s7 =	sshll.u32 @p0 s5, $0x11  }
0xaa: {  	s6 =	sor.u32 @p0 s7, s6  }
0xab: {  	[sflag:s6] =	ssyncadd.remote.s32 @p0 $0x1;
	_ =	sdelay $0x1  }
0xac: {  	s6 =	simm.s32 @p0 $0x1B8D  }
0xad: {  	_ =	swait.eq @p0 [sflag:s6], $0x1  }
0xae: {  	[sflag:s6] =	ssyncadd.s32 @p0 $0xFFFFFFFF  }
0xaf: {  	s7 =	sshll.u32 @!p0 s1, $0xE  }
0xb0: {  	s7 =	sor.u32 @!p0 $0x4000, s7;
	s6 =	simm.s32 @!p0 $0x1B8D  }
0xb1: {  	s5 =	sshll.u32 @!p0 s5, $0x11;
	s7 =	sadd.s32 @!p0 $0x11B8D, s7;
	_ =	swait.eq @!p0 [sflag:s6], $0x1  }
0xb2: {  	s5 =	sor.u32 @!p0 s5, s7;
	[sflag:s6] =	ssyncadd.s32 @!p0 $0xFFFFFFFF  }
0xb3: {  	s25 =	simm.s32 $0x1B8E;
	s24 =	sld [smem:$0x3FFE];
	[sflag:s5] =	ssyncadd.remote.s32 @!p0 $0x1  }
0xb4: {  	s26 =	simm.s32 $execute0_lowered;
	[smem:$0x3FD2] =	sst s25  }
0xb5: {  	s6 =	sshll.u32 s26, $0x1;
	_ =	strace $0x80000049;
	[dreg:$0x1] =	wrdreg $0xFFFFFFFF  }
0xb6: {  	s28 =	simm.s32 $_size_execute0_lowered;
	s4 =	sadd.s32 s4, s6;
	[dreg:$0x0] =	wrdreg $0x0  }
0xb7: {  	s6 =	sshll.u32 s28, $0x1;
	[dreg:$0x2] =	wrdreg s4  }
0xb8: {  	[dreg:$0x3] =	wrdreg s6  }
0xb9: {  	[dreg:$0x4] =	wrdreg $0xC0  }
0xba: {  	_ =	task [dreg:s22], $0x5FFFF  }
0xbb: {  	[dreg:$0x1] =	wrdreg $0xFFFFFFFF  }
0xbc: {  	[dreg:$0x0] =	wrdreg $0x60  }
0xbd: {  	[dreg:$0x2] =	wrdreg s18  }
0xbe: {  	[dreg:$0x3] =	wrdreg s24  }
0xbf: {  	[dreg:$0x4] =	wrdreg $0x5C000  }
0xc0: {  	[dreg:$0x5] =	wrdreg $0x9  }
0xc1: {  	_ =	task.clear_ibuf [dreg:s22], $0x6FFFF;
	_ =	strace $0x90000049  }
0xc2: {  	s29 =	simm.s32 $0x9;
	_ =	strace $0x8000004B  }
0xc3: {  	_ =	swait.ge [sflag:s29], $0x1  }
0xc4: {  	[sflag:s29] =	ssyncadd.s32 $0xFFFFFFFF  }
0xc5: {  	_ =	strace $0x9000004B  }
0xc6: {  	_ =	sfence  }
0xc7: {  	s30 =	sld [smem:$0x0];
	_ =	sdelay $0x2  }
0xc8: {  	s31 =	sshll.u32 s1, $0xD;
	s1 =	sshrl.u32 s1, $0x2  }
0xc9: {  	s4 =	sand.u32 $0x4000, s31;
	s1 =	sadd.s32 s1, s30  }
0xca: {  	s0 =	sor.u32 s4, s0;
	s1 =	sshll.u32 s1, $0x11  }
0xcb: {  	s0 =	sor.u32 s1, s0  }
0xcc: {  	s0 =	sadd.s32 $0x8F2B, s0  }
0xcd: {  	[sflag:s0] =	ssyncadd.remote.s32 $0x1  }
0xce: {  	_ =	sfence.sel $0xFFFF  }
0xcf: {  	[dreg:$0x0] =	wrdreg $0xFFFFFFFF;
	(pc) =	sbr.abs _section_cstart, $3  }
0xd0: {  	[dreg:$0x1] =	wrdreg $0xFFFFFFFF  }
0xd1: {  	_ =	task.clear_ibuf [dreg:s22], $0x2FFFF;
	_ =	strace $0x9FFFFFFF  }
0xd2: {  	(tm) =	ssettm $0x7FFFFFFF  }
0xd3: {  	_ =	shalt  }
tec
execute0_lowered:
.L_overlay_start_1:
0x0: {  	(tag) =	ssettag $0x1  }
0x1: {  	s7 =	rddreg [dreg:$0x0]  }
0x2: {  	s4 =	rddreg [dreg:$0x1]  }
0x3: {  	s1 =	rddreg [dreg:$0x2]  }
0x4: {  	s2 =	srdreg.scid;
	s0 =	rddreg [dreg:$0x3];
	s3 =	simm.s32 $0x0  }
0x5: {  	s11 =	simm.s32 $0x1;
	s5 =	sand.u32 $0x1, s2;
	s2 =	stileid.u32  }
0x6: {  	s12 =	simm.s32 $0x80;
	[smem:$0x7FF] =	sst s3;
	s6 =	smul.u32 $0x13C000, s5  }
0x7: {  	s13 =	simm.s32 $0x1400;
	s8 =	smul.u32 $0x13C00, s2;
	_ =	strace $0x8000004A  }
0x8: {  	s31 =	sshll.u32 s5, $0x4;
	s9 =	smul.u32 $0x4F000, s2;
	s5 =	ssub.s32 $0x2, s5  }
0x9: {  	s14 =	sshll.u32 s2, $0x6;
	s10 =	sshrl.u32 s5, $0x1;
	s6 =	sadd.s32 s8, s6  }
0xa: {  	s8 =	sor.u32 s2, s31;
	s9 =	sshrl.u32 s9, $0x2;
	s6 =	sshrl.u32 s6, $0x3  }
0xb: {  	s8 =	smul.u32 $0x500, s8;
	s6 =	sadd.s32 s6, s4;
	s4 =	sadd.s32 s9, s1  }
0xc: {  	s14 =	sor.u32 $0x1C01, s14;
	s10 =	ssub.s32 s5, s10;
	s5 =	sadd.s32 $0x13800, s4  }
0xd: {  	s6 =	sadd.s32 $0x5B600, s6;
	s7 =	sadd.s32 s7, s8;
	s8 =	smax.u32 s10, $0x1  }
0xe: {  	v0 =	vimm.f32 $0.0e+00;
	v1 =	vimm.f32 $1.000000000e+00;
	s10 =	simm.s32 $0x5400;
	s15 =	sshrl.u32 s4, $0x3;
	s9 =	sadd.s32 $0x280, s7  }
.LBB2_1:
0xf: {  	s16 =	simm.s32 $0x0;
	s17 =	simm.s32 $0x200  }
.LBB2_2:
0x10: {  	p0 =	sne.s32 s17, $0x1E00;
	[tilespmem:s16+$0x5470] =	vst v0  }
0x11: {  	[tilespmem:s16+$0x5400] =	vst v0  }
0x12: {  	[tilespmem:s16+$0x5410] =	vst v0  }
.Ltmp0:
0x13: {  	[tilespmem:s16+$0x5420] =	vst v0;
	(pc) =	sbr.rel @p0 .LBB2_2-.Ltmp0, $4  }
0x14: {  	[tilespmem:s16+$0x5430] =	vst v0  }
0x15: {  	[tilespmem:s16+$0x5440] =	vst v0  }
0x16: {  	[tilespmem:s16+$0x5450] =	vst v0  }
0x17: {  	[tilespmem:s16+$0x5460] =	vst v0;
	s16 =	sshra.s32 s17, $0x2;
	s17 =	sadd.s32 $0x200, s17  }
0x18: {  	[tilespmem:s16+$0x5470] =	vst v0  }
0x19: {  	[tilespmem:s16+$0x5400] =	vst v0  }
0x1a: {  	[tilespmem:s16+$0x5410] =	vst v0  }
0x1b: {  	[tilespmem:s16+$0x5420] =	vst v0  }
0x1c: {  	[tilespmem:s16+$0x5430] =	vst v0  }
0x1d: {  	[tilespmem:s16+$0x5440] =	vst v0  }
0x1e: {  	[tilespmem:s16+$0x5450] =	vst v0  }
0x1f: {  	[tilespmem:s16+$0x5460] =	vst v0;
	s16 =	simm.s32 $0x0;
	s17 =	simm.s32 $0x200  }
.LBB2_4:
0x20: {  	p0 =	sne.s32 s17, $0xFE00;
	[tilespmem:s16+$0x1470] =	vst v1  }
0x21: {  	[tilespmem:s16+$0x1400] =	vst v1  }
0x22: {  	[tilespmem:s16+$0x1410] =	vst v1  }
.Ltmp1:
0x23: {  	[tilespmem:s16+$0x1420] =	vst v1;
	(pc) =	sbr.rel @p0 .LBB2_4-.Ltmp1, $4  }
0x24: {  	[tilespmem:s16+$0x1430] =	vst v1  }
0x25: {  	[tilespmem:s16+$0x1440] =	vst v1  }
0x26: {  	[tilespmem:s16+$0x1450] =	vst v1  }
0x27: {  	[tilespmem:s16+$0x1460] =	vst v1;
	s16 =	sshra.s32 s17, $0x2;
	s17 =	sadd.s32 $0x200, s17  }
0x28: {  	[tilespmem:s16+$0x1470] =	vst v1  }
0x29: {  	[tilespmem:s16+$0x1400] =	vst v1  }
0x2a: {  	[tilespmem:s16+$0x1410] =	vst v1  }
0x2b: {  	[tilespmem:s16+$0x1420] =	vst v1  }
0x2c: {  	[tilespmem:s16+$0x1430] =	vst v1  }
0x2d: {  	[tilespmem:s16+$0x1440] =	vst v1  }
0x2e: {  	[tilespmem:s16+$0x1450] =	vst v1  }
0x2f: {  	[tilespmem:s16+$0x1460] =	vst v1;
	s31 =	sadd.s32 $0x0, s4  }
0x30: {  	[spmem:s31] =	stream.linear.scatter [tilespmem:s10], [sflag:$0x1], $0x800, $0x38;
	[tilespmem:$0x19800] =	vst v63  }
0x31: {  	s16 =	simm.s32 $0x2000;
	_ =	swait.ge [sflag:s11], $0x800  }
.LBB2_6:
0x32: {  	s17 =	sshra.s32 s16, $0x2;
	[sflag:s11] =	ssyncset.done $0x0;
	p0 =	sne.s32 s16, $0x4C000  }
.Ltmp2:
0x33: {  	s17 =	sadd.s32 s17, s4;
	[sflag:s11] =	ssyncadd.s32 $0xFFFFF800;
	(pc) =	sbr.rel @p0 .LBB2_6-.Ltmp2, $3  }
0x34: {  	[spmem:s17] =	stream.linear.scatter [tilespmem:s10], [sflag:$0x1], $0x800, $0x38;
	[tilespmem:$0x19800] =	vst v63  }
0x35: {  	s16 =	sadd.s32 $0x2000, s16;
	_ =	sdelay $0x1  }
0x36: {  	_ =	swait.ge [sflag:s11], $0x800  }
0x37: {  	[sflag:s11] =	ssyncset.done $0x0  }
0x38: {  	[sflag:s11] =	ssyncadd.s32 $0xFFFFF800  }
0x39: {  	[spmem:s5] =	stream.linear.scatter [tilespmem:s10], [sflag:$0x1], $0x400, $0x38;
	[tilespmem:$0x19800] =	vst v63  }
0x3a: {  	_ =	swait.ge [sflag:s11], $0x400  }
0x3b: {  	[sflag:s11] =	ssyncset.done $0x0  }
0x3c: {  	[sflag:s11] =	ssyncadd.s32 $0xFFFFFC00  }
0x3d: {  	s16 =	simm.s32 $0x0;
	[bflag:$0x0] =	sbarrier.arrive $0xFFFF  }
0x3e: {  	[tilespmem:s16], [sflag:$0x1] =	stream.linear.gather [hbm4b:s7+s16], $0x1400, $0x38;
	[tilespmem:$0x19800] =	vst v63  }
0x3f: {  	_ =	swait.ge [sflag:s11], $0x1400  }
0x40: {  	[sflag:s11] =	ssyncset.done $0x0  }
0x41: {  	s31 =	simm.s32 $0x0;
	[sflag:s11] =	ssyncadd.s32 $0xFFFFEC00  }
0x42: {  	[spmem:s1] =	stream.indirect.scatter.add.f32 [tilespmem:s13], [sflag:$0x1], $0x80, s31, s12, $0xb8;
	[tilespmem:$0x19800] =	vst v63  }
0x43: {  	_ =	swait.ge [sflag:s11], $0x4000  }
0x44: {  	s16 =	simm.s32 $0x200;
	[sflag:s11] =	ssyncset.done $0x0  }
.LBB2_8:
0x45: {  	s17 =	sshra.s32 s16, $0x2;
	[sflag:s11] =	ssyncadd.s32 $0xFFFFC000;
	p0 =	sne.s32 s16, $0x4E00  }
0x46: {  	[spmem:s1] =	stream.indirect.scatter.add.f32 [tilespmem:s13], [sflag:$0x1], $0x80, s17, s12, $0xb8;
	[tilespmem:$0x19800] =	vst v63  }
.Ltmp3:
0x47: {  	_ = 	snop;
	(pc) =	sbr.rel @p0 .LBB2_8-.Ltmp3, $4  }
0x48: {  	_ = 	snop  }
0x49: {  	s16 =	sadd.s32 $0x200, s16  }
0x4a: {  	_ =	swait.ge [sflag:s11], $0x4000  }
0x4b: {  	[sflag:s11] =	ssyncset.done $0x0  }
0x4c: {  	[sflag:s11] =	ssyncadd.s32 $0xFFFFC000;
	s16 =	simm.s32 $0x0  }
0x4d: {  	[tilespmem:s16], [sflag:$0x1] =	stream.linear.gather [hbm4b:s9+s16], $0x1400, $0x38;
	[tilespmem:$0x19800] =	vst v63  }
0x4e: {  	_ =	swait.ge [sflag:s11], $0x1400  }
0x4f: {  	[sflag:s11] =	ssyncset.done $0x0  }
0x50: {  	s31 =	simm.s32 $0x0;
	[sflag:s11] =	ssyncadd.s32 $0xFFFFEC00  }
0x51: {  	[spmem:s1] =	stream.indirect.scatter.add.f32 [tilespmem:s13], [sflag:$0x1], $0x80, s31, s12, $0xb8;
	[tilespmem:$0x19800] =	vst v63  }
0x52: {  	_ =	swait.ge [sflag:s11], $0x4000  }
0x53: {  	s16 =	simm.s32 $0x200;
	[sflag:s11] =	ssyncset.done $0x0  }
.LBB2_10:
0x54: {  	s17 =	sshra.s32 s16, $0x2;
	[sflag:s11] =	ssyncadd.s32 $0xFFFFC000;
	p0 =	sne.s32 s16, $0x4E00  }
0x55: {  	[spmem:s1] =	stream.indirect.scatter.add.f32 [tilespmem:s13], [sflag:$0x1], $0x80, s17, s12, $0xb8;
	[tilespmem:$0x19800] =	vst v63  }
.Ltmp4:
0x56: {  	_ = 	snop;
	(pc) =	sbr.rel @p0 .LBB2_10-.Ltmp4, $4  }
0x57: {  	_ = 	snop  }
0x58: {  	s16 =	sadd.s32 $0x200, s16  }
0x59: {  	_ =	swait.ge [sflag:s11], $0x4000  }
0x5a: {  	[sflag:s11] =	ssyncset.done $0x0  }
0x5b: {  	s3 =	sadd.s32 $0x1, s3  }
0x5c: {  	[sflag:s11] =	ssyncadd.s32 $0xFFFFC000;
	p0 =	sne.s32 s3, s8  }
.Ltmp5:
0x5d: {  	[bflag:$0x0] =	sbarrier.arrive $0xFFFF;
	(pc) =	sbr.rel @p0 .LBB2_1-.Ltmp5, $4  }
0x5e: {  	[hbm:s6], [sflag:s14] =	dma.local [spmem:s15], $0x2780  }
0x5f: {  	_ =	swait.ge [sflag:s11], $0x2780  }
0x60: {  	[sflag:s11] =	ssyncset.done $0x0  }
0x61: {  	[sflag:s11] =	ssyncadd.s32 $0xFFFFD880  }
0x62: {  	_ =	sfence.sel $0x180000  }
0x63: {  	[bflag:$0x0] =	sbarrier.arrive $0xFFFF  }
0x64: {  	p0 =	sne.s32 s2, $0x0;
	_ =	strace $0x9000004A  }
0x65: {  	s0 =	sadd.s32 @!p0 $0x100000, s0;
	[bflag:$0x2] =	sbarrier.arrive $0xFFFF  }
0x66: {  	[sflag:s0] =	ssyncadd.tile.s32 @!p0 $0x1;
	_ =	shalt  }
.Lfunc_end2:
_tile_overlayer_lowered:
.L_overlay_start_2:
0x67: {  	(tag) =	ssettag $0x2  }
0x68: {  	s0 =	rddreg [dreg:$0x0];
	s2 =	stileid.u32  }
0x69: {  	s1 =	rddreg [dreg:$0x1];
	p0 =	sne.s32 s2, $0x0  }
0x6a: {  	s3 =	rddreg [dreg:$0x2];
	[bflag:$0x3] =	sbarrier.arrive $0xFFFF;
	s2 =	simm.s32 @!p0 $0x1C01  }
0x6b: {  	[timem:s3], [sflag:s2] =	dma.local @!p0 [hbm:s0], s1  }
0x6c: {  	s0 =	simm.s32 @!p0 $0x1  }
0x6d: {  	_ =	swait.ge @!p0 [sflag:s0], s1  }
0x6e: {  	s1 =	ssub.s32 @!p0 $0x0, s1;
	[sflag:s0] =	ssyncset.done @!p0 $0x0  }
0x6f: {  	[sflag:s0] =	ssyncadd.s32 @!p0 s1  }
0x70: {  	[bflag:$0x3] =	sbarrier.arrive $0xFFFF  }
0x71: {  	_ =	shalt  }

</sc_bundles>
